<compile_context>
chip_gen: v7x
topology: tpu7x:2x2x1
jax: 0.10.2.dev20260603
libtpu: 0.0.44.dev20260713+nightly
codegen_flags: <defaults>
</compile_context>

<pallas_src>
import functools

import jax
import jax.numpy as jnp
from jax import lax
from jax.experimental import pallas as pl
from jax.experimental.pallas import tpu as pltpu
from jax.experimental.pallas import tpu_sc as plsc

N = 10000
E = 160000
D = 256
B = 16
L = 512
K = 1024
C = 64

DH = D // 2
BL = B * L
TRASH = BL
ACC_R = 8320
NP = 10240
XHALF = NP
CH = 128
NSUB = 16
NBUF = 3
EPS = 10368
E_PAD = EPS * NSUB
NCH = EPS // CH
NMAC = NCH // NBUF
ACC_ROWS = 10016
PAD_CH = (BL // NSUB) // CH

ROWS_TC = 512
GRID_N = NP // ROWS_TC
GRID_TC = BL // ROWS_TC
LOSS_SCALE = 1.25 / float(BL * C)



def _mm_body(x_ref, wm_ref, ws_ref, m_ref, xw_ref):
    dot = functools.partial(
        jnp.dot, preferred_element_type=jnp.float32,
        precision=lax.Precision.DEFAULT)
    xb = x_ref[...]
    m_ref[...] = dot(xb, wm_ref[...])
    xw_ref[...] = dot(xb, ws_ref[...])


_mm_kernel = pl.pallas_call(
    _mm_body,
    grid=(2, GRID_N),
    in_specs=[
        pl.BlockSpec((ROWS_TC, D), lambda j, i: (i, 0)),
        pl.BlockSpec((D, DH), lambda j, i: (0, j)),
        pl.BlockSpec((D, DH), lambda j, i: (0, j)),
    ],
    out_specs=[
        pl.BlockSpec((ROWS_TC, DH), lambda j, i: (j * GRID_N + i, 0)),
        pl.BlockSpec((ROWS_TC, DH), lambda j, i: (j * GRID_N + i, 0)),
    ],
    out_shape=[
        jax.ShapeDtypeStruct((2 * NP, DH), jnp.float32),
        jax.ShapeDtypeStruct((2 * NP, DH), jnp.float32),
    ],
)



def _sc_body(m2, xw2, srcp, dstp, gidx, s_out, *scr):
    bufs = tuple(tuple(scr[5 * u:5 * u + 5]) + (scr[5 * NBUF + 1 + u],
                                                scr[5 * NBUF + 1 + NBUF + u],
                                                scr[5 * NBUF + 1 + 2 * NBUF + u])
                 for u in range(NBUF))
    acc = scr[5 * NBUF]
    c = lax.axis_index("c")
    s = lax.axis_index("s")
    half_base = c * XHALF

    @pl.when(s < NSUB - 1)
    def _():
        pltpu.sync_copy(xw2.at[pl.ds(half_base + s * 632, 632)],
                        acc.at[pl.ds(s * 632, 632)])

    @pl.when(s == NSUB - 1)
    def _():
        pltpu.sync_copy(xw2.at[pl.ds(half_base + 9480, ACC_ROWS - 9480)],
                        acc.at[pl.ds(9480, ACC_ROWS - 9480)])

    plsc.subcore_barrier()

    ebase = s * EPS

    def issue_ids(t, u):
        sb, db = bufs[u][0], bufs[u][1]
        off = pl.multiple_of(ebase + (NBUF * t + u) * CH, 8)
        pltpu.async_copy(srcp.at[pl.ds(off, CH)], sb, bufs[u][5])
        pltpu.async_copy(dstp.at[pl.ds(off, CH)], db, bufs[u][5])

    for u in range(NBUF):
        issue_ids(0, u)

    def macro(t, carry):
        for u in range(NBUF):
            sb, db, dc, gb, xr, sA, sB, sC = bufs[u]
            pltpu.make_async_copy(srcp.at[pl.ds(ebase, CH)], sb, sA).wait()
            pltpu.make_async_copy(dstp.at[pl.ds(ebase, CH)], db, sA).wait()
            @pl.when(t > 0)
            def _():
                pltpu.make_async_copy(xr, acc.at[dc], sC).wait()
            for j in range(CH // 16):
                gb[pl.ds(j * 16, 16)] = sb[pl.ds(j * 16, 16)] + half_base
                dc[pl.ds(j * 16, 16)] = db[pl.ds(j * 16, 16)]
            pltpu.async_copy(m2.at[gb], xr, sB)

        for u in range(NBUF):
            sb, db, dc, gb, xr, sA, sB, sC = bufs[u]
            pltpu.make_async_copy(m2.at[gb], xr, sB).wait()

            @pl.when(t + 1 < NMAC)
            def _():
                issue_ids(t + 1, u)
            pltpu.async_copy(xr, acc.at[dc], sC, add=True)
        return carry

    lax.fori_loop(0, NMAC, macro, 0)
    for u in range(NBUF):
        _, _, dc, _, xr, _, _, sC = bufs[u]
        pltpu.make_async_copy(xr, acc.at[dc], sC).wait()
    plsc.subcore_barrier()

    rbase = s * (BL // NSUB)

    def pad_gather(t, u):
        sb, _, _, gb, xr, _, sB, _ = bufs[u]
        roff = pl.multiple_of(rbase + t * CH, 8)
        pltpu.sync_copy(gidx.at[pl.ds(roff, CH)], sb)
        return pltpu.async_copy(acc.at[sb], xr, sB)

    g = pad_gather(0, 0)
    writes = []
    for t in range(PAD_CH):
        u = t % 2
        g.wait()
        if t + 1 < PAD_CH:
            g = pad_gather(t + 1, (t + 1) % 2)
        roff = pl.multiple_of(rbase + t * CH, 8)
        writes.append(pltpu.async_copy(
            bufs[u][4], s_out.at[c, pl.ds(roff, CH)], bufs[u][7]))
        if len(writes) >= 2:
            writes.pop(0).wait()
    for w in writes:
        w.wait()


@functools.cache
def _sc_kernel():
    ibuf = pltpu.VMEM((CH,), jnp.int32)
    rbuf = pltpu.VMEM((CH, DH), jnp.float32)
    return functools.partial(
        pl.kernel,
        mesh=plsc.VectorSubcoreMesh(core_axis_name="c", subcore_axis_name="s"),
        out_type=[
            jax.ShapeDtypeStruct((2, BL, DH), jnp.float32),
        ],
        scratch_types=(
            [ibuf, ibuf, ibuf, ibuf, rbuf] * NBUF
            + [pltpu.VMEM_SHARED((ACC_ROWS, DH), jnp.float32)]
            + [pltpu.SemaphoreType.DMA] * (3 * NBUF)
        ),
    )(_sc_body)



def _tc_body(s_ref, enc_ref, cb_ref, dec_ref, out_ref, idx_ref, loss_ref):
    i = pl.program_id(0)
    dot = functools.partial(
        jnp.dot, preferred_element_type=jnp.float32,
        precision=lax.Precision.DEFAULT)
    h = jnp.concatenate([s_ref[0], s_ref[1]], axis=1)
    h = jnp.maximum(h, 0.0)
    z = dot(h, enc_ref[...])
    cb = cb_ref[...]
    zs = jnp.sum(z * z, axis=1, keepdims=True)
    cbs = jnp.sum(cb * cb, axis=1)
    sc = lax.dot_general(z, cb, (((1,), (1,)), ((), ())),
                         preferred_element_type=jnp.float32,
                         precision=lax.Precision.DEFAULT)
    d2 = zs - 2.0 * sc + cbs[None, :]
    m = jnp.min(d2, axis=1, keepdims=True)
    iot = lax.broadcasted_iota(jnp.int32, (ROWS_TC, K), 1)
    idx = jnp.min(jnp.where(d2 <= m, iot, K), axis=1)
    oh = (iot == idx[:, None]).astype(jnp.float32)
    cb_hi = cb.astype(jnp.bfloat16).astype(jnp.float32)
    r1 = cb - cb_hi
    cb_mid = r1.astype(jnp.bfloat16).astype(jnp.float32)
    q = dot(oh, cb_hi) + dot(oh, cb_mid) + dot(oh, r1 - cb_mid)
    zq = z + (q - z)
    out_ref[...] = dot(zq, dec_ref[...])
    idx_ref[0, 0] = idx
    part = (jnp.sum((q - z) * (q - z)) * LOSS_SCALE).reshape(1, 1)

    @pl.when(i == 0)
    def _():
        loss_ref[...] = part

    @pl.when(i > 0)
    def _():
        loss_ref[...] += part


_tc_kernel = pl.pallas_call(
    _tc_body,
    grid=(GRID_TC,),
    in_specs=[
        pl.BlockSpec((2, ROWS_TC, DH), lambda i: (0, i, 0)),
        pl.BlockSpec((D, C), lambda i: (0, 0)),
        pl.BlockSpec((K, C), lambda i: (0, 0)),
        pl.BlockSpec((C, D), lambda i: (0, 0)),
    ],
    out_specs=[
        pl.BlockSpec((ROWS_TC, D), lambda i: (i, 0)),
        pl.BlockSpec((1, 1, ROWS_TC), lambda i: (i, 0, 0)),
        pl.BlockSpec((1, 1), lambda i: (0, 0)),
    ],
    out_shape=[
        jax.ShapeDtypeStruct((BL, D), jnp.float32),
        jax.ShapeDtypeStruct((GRID_TC, 1, ROWS_TC), jnp.int32),
        jax.ShapeDtypeStruct((1, 1), jnp.float32),
    ],
)


@jax.jit
def kernel(x, edge_index, batch_ids, W_msg, W_self, enc_W, codebook, dec_W):
    bids = batch_ids.astype(jnp.int32)
    offsets = jnp.searchsorted(
        bids, jnp.arange(B, dtype=jnp.int32), side="left").astype(jnp.int32)
    counts = jnp.concatenate(
        [offsets[1:], jnp.array([N], jnp.int32)]) - offsets
    ll = jnp.arange(L, dtype=jnp.int32)
    gidx = jnp.where(ll[None, :] < counts[:, None],
                     offsets[:, None] + ll[None, :], N).reshape(BL)

    src_p = jnp.concatenate(
        [edge_index[0].astype(jnp.int32),
         jnp.full((E_PAD - E,), N, jnp.int32)])
    dst_p = jnp.concatenate(
        [edge_index[1].astype(jnp.int32),
         jnp.zeros((E_PAD - E,), jnp.int32)])

    xpad = jnp.pad(x, ((0, NP - N), (0, 0)))

    m2, xw2 = _mm_kernel(xpad, W_msg, W_self)

    (s_h,) = _sc_kernel()(m2, xw2, src_p, dst_p, gidx)

    out8, idx3, loss = _tc_kernel(s_h, enc_W, codebook, dec_W)
    return (out8.reshape(B, L, D), idx3.reshape(B, L),
            loss.reshape(()))

# --- scband reference (transcript-rebuilt; emitter-appended) ---
"""Pipeline reference for scband-gvpvqvae-1099511627781 (READ-ONLY COPY).

The authoritative reference and input builder live on the scoring server;
editing this copy changes nothing except your own understanding.
"""

import jax, jax.numpy as jnp
import numpy as np

N = 10000   # nodes
E = 160000  # edges
D = 256     # d_feat / d_model
B = 16      # graphs in batch
L = 512     # max_length
K = 1024    # codebook size
C = 64      # code dim


def setup_inputs(seed: int = 0) -> dict:
    key = jax.random.key(seed)
    ks = jax.random.split(key, 8)
    x = jax.random.normal(ks[0], (N, D), dtype=jnp.float32)
    edge_index = jax.random.randint(ks[1], (2, E), 0, N, dtype=jnp.int32)
    batch_ids = jnp.sort(jax.random.randint(ks[2], (N,), 0, B, dtype=jnp.int32))
    W_msg = jax.random.normal(ks[3], (D, D), dtype=jnp.float32) * (1.0 / np.sqrt(D))
    W_self = jax.random.normal(ks[4], (D, D), dtype=jnp.float32) * (1.0 / np.sqrt(D))
    enc_W = jax.random.normal(ks[5], (D, C), dtype=jnp.float32) * (1.0 / np.sqrt(D))
    codebook = jax.random.normal(ks[6], (K, C), dtype=jnp.float32)
    dec_W = jax.random.normal(ks[7], (C, D), dtype=jnp.float32) * (1.0 / np.sqrt(C))
    return {"x": x, "edge_index": edge_index, "batch_ids": batch_ids,
            "W_msg": W_msg, "W_self": W_self, "enc_W": enc_W,
            "codebook": codebook, "dec_W": dec_W}


def reference(x, edge_index, batch_ids, W_msg, W_self, enc_W, codebook, dec_W):
    # --- gvp stage: one message-passing layer producing node features [N, D] ---
    src = edge_index[0]
    dst = edge_index[1]
    msg = jnp.take(x, src, axis=0) @ W_msg                      # gather + matmul
    agg = jax.ops.segment_sum(msg, dst, num_segments=N)         # scatter-add
    h = jax.nn.relu(agg + x @ W_self)                           # [N, D]

    # --- separate_features + merge_features: pad/truncate each graph to L ---
    counts = jnp.bincount(batch_ids, length=B)
    offsets = jnp.concatenate([jnp.zeros((1,), counts.dtype), jnp.cumsum(counts)[:-1]])
    pos = jnp.arange(N) - offsets[batch_ids]                    # position within graph
    padded = jnp.zeros((B, L, D), dtype=h.dtype).at[batch_ids, pos].set(h, mode="drop")

    # --- vqvae stage: encode, nearest-codebook quantize, decode ---
    z = padded @ enc_W                                          # [B, L, C]
    d2 = (jnp.sum(z * z, axis=-1, keepdims=True)
          - 2.0 * (z @ codebook.T)
          + jnp.sum(codebook * codebook, axis=-1))              # [B, L, K]
    indices = jnp.argmin(d2, axis=-1)                            # [B, L]
    q = jnp.take(codebook, indices, axis=0)                      # [B, L, C]
    commit_loss = (jnp.mean((jax.lax.stop_gradient(q) - z) ** 2)
                   + 0.25 * jnp.mean((q - jax.lax.stop_gradient(z)) ** 2))
    zq = z + jax.lax.stop_gradient(q - z)                        # straight-through
    out = zq @ dec_W                                             # [B, L, D]
    return out, indices, commit_loss

if __name__ == "__main__":
    import jax
    _d = setup_inputs()
    print(jax.jit(kernel)(*tuple(_d.values())))

</pallas_src>

<mosaic_0001>
#map = affine_map<(d0, d1) -> (0, 0)>
#map1 = affine_map<(d0, d1) -> (0)>
#map2 = affine_map<(d0, d1) -> (0, 0, 0)>
module attributes {stable_mosaic.version = 14 : i64} {
  func.func @_sc_body(%arg0: i32, %arg1: i32, %arg2: memref<20480x128xf32, #tpu.memory_space<hbm>>, %arg3: memref<20480x128xf32, #tpu.memory_space<hbm>>, %arg4: memref<165888xi32, #tpu.memory_space<hbm>>, %arg5: memref<165888xi32, #tpu.memory_space<hbm>>, %arg6: memref<8192xi32, #tpu.memory_space<hbm>>, %arg7: memref<2x8192x128xf32, #tpu.memory_space<hbm>>, %arg8: memref<128xi32, #tpu.memory_space<vmem>>, %arg9: memref<128xi32, #tpu.memory_space<vmem>>, %arg10: memref<128xi32, #tpu.memory_space<vmem>>, %arg11: memref<128xi32, #tpu.memory_space<vmem>>, %arg12: memref<128x128xf32, #tpu.memory_space<vmem>>, %arg13: memref<128xi32, #tpu.memory_space<vmem>>, %arg14: memref<128xi32, #tpu.memory_space<vmem>>, %arg15: memref<128xi32, #tpu.memory_space<vmem>>, %arg16: memref<128xi32, #tpu.memory_space<vmem>>, %arg17: memref<128x128xf32, #tpu.memory_space<vmem>>, %arg18: memref<128xi32, #tpu.memory_space<vmem>>, %arg19: memref<128xi32, #tpu.memory_space<vmem>>, %arg20: memref<128xi32, #tpu.memory_space<vmem>>, %arg21: memref<128xi32, #tpu.memory_space<vmem>>, %arg22: memref<128x128xf32, #tpu.memory_space<vmem>>, %arg23: memref<10016x128xf32, #tpu.memory_space<vmem_shared>>, %arg24: memref<!tpu.dma_semaphore, #tpu.memory_space<semaphore_mem>>, %arg25: memref<!tpu.dma_semaphore, #tpu.memory_space<semaphore_mem>>, %arg26: memref<!tpu.dma_semaphore, #tpu.memory_space<semaphore_mem>>, %arg27: memref<!tpu.dma_semaphore, #tpu.memory_space<semaphore_mem>>, %arg28: memref<!tpu.dma_semaphore, #tpu.memory_space<semaphore_mem>>, %arg29: memref<!tpu.dma_semaphore, #tpu.memory_space<semaphore_mem>>, %arg30: memref<!tpu.dma_semaphore, #tpu.memory_space<semaphore_mem>>, %arg31: memref<!tpu.dma_semaphore, #tpu.memory_space<semaphore_mem>>, %arg32: memref<!tpu.dma_semaphore, #tpu.memory_space<semaphore_mem>>) attributes {dimension_semantics = [#tpu.dimension_semantics<core_parallel>, #tpu.dimension_semantics<subcore_parallel>], iteration_bounds = array<i64: 2, 16>, scalar_prefetch = 0 : i64, scratch_operands = 25 : i64, tpu.core_type = #tpu.core_type<sc_vector_subcore>, window_params = [{transform_indices = #map}, {transform_indices = #map}, {transform_indices = #map1}, {transform_indices = #map1}, {transform_indices = #map1}, {transform_indices = #map2}]} {
    %mul3A = arith.constant 10240 : i32
    %mul3A_0 = arith.muli %arg0, %mul3A : i32
    %lt3A = arith.constant 15 : i32
    %lt3A_1 = arith.cmpi slt, %arg1, %lt3A : i32
    %convert_element_type3A = arith.extui %lt3A_1 : i1 to i32
    %cond3A = arith.constant 0 : i32
    %cond3A_2 = arith.cmpi ne, %convert_element_type3A, %cond3A : i32
    scf.if %cond3A_2 {
      %mul3A_139 = arith.constant 632 : i32
      %mul3A_140 = arith.muli %arg1, %mul3A_139 : i32
      %add3A_141 = arith.addi %mul3A_0, %mul3A_140 : i32
      %mul3A_142 = arith.constant 632 : i32
      %mul3A_143 = arith.muli %arg1, %mul3A_142 : i32
      "tpu.region"() ({
        %run_scoped3A = tpu.sem_alloc : memref<!tpu.dma_semaphore, #tpu.memory_space<semaphore_mem>>
        %dma_start3A_144 = arith.constant 0 : i32
        %dma_start3A_145 = tpu.memref_slice %arg23[%mul3A_143, %dma_start3A_144] : memref<10016x128xf32, #tpu.memory_space<vmem_shared>> -> memref<632x128xf32, #tpu.memory_space<vmem_shared>>
        %dma_start3A_146 = arith.constant 0 : i32
        %dma_start3A_147 = tpu.memref_slice %arg3[%add3A_141, %dma_start3A_146] : memref<20480x128xf32, #tpu.memory_space<hbm>> -> memref<632x128xf32, #tpu.memory_space<hbm>>
        tpu.enqueue_dma source(%dma_start3A_147 : memref<632x128xf32, #tpu.memory_space<hbm>>) target(%dma_start3A_145 : memref<632x128xf32, #tpu.memory_space<vmem_shared>>) target_semaphore(%run_scoped3A : memref<!tpu.dma_semaphore, #tpu.memory_space<semaphore_mem>>)
        %dma_wait3A_148 = arith.constant 0 : i32
        %dma_wait3A_149 = tpu.memref_slice %arg23[%mul3A_143, %dma_wait3A_148] : memref<10016x128xf32, #tpu.memory_space<vmem_shared>> -> memref<632x128xf32, #tpu.memory_space<vmem_shared>>
        %dma_wait3A_150 = arith.constant 0 : i32
        %dma_wait3A_151 = tpu.memref_slice %arg3[%add3A_141, %dma_wait3A_150] : memref<20480x128xf32, #tpu.memory_space<hbm>> -> memref<632x128xf32, #tpu.memory_space<hbm>>
        tpu.wait_dma2 semaphore(%run_scoped3A : memref<!tpu.dma_semaphore, #tpu.memory_space<semaphore_mem>>) src(%dma_wait3A_151 : memref<632x128xf32, #tpu.memory_space<hbm>>) dst(%dma_wait3A_149 : memref<632x128xf32, #tpu.memory_space<vmem_shared>>)
        tpu.yield
      }) : () -> ()
    } else {
    }
    %eq3A = arith.constant 15 : i32
    %eq3A_3 = arith.cmpi eq, %arg1, %eq3A : i32
    %convert_element_type3A_4 = arith.extui %eq3A_3 : i1 to i32
    %cond3A_5 = arith.constant 0 : i32
    %cond3A_6 = arith.cmpi ne, %convert_element_type3A_4, %cond3A_5 : i32
    scf.if %cond3A_6 {
      %add3A_139 = arith.constant 9480 : i32
      %add3A_140 = arith.addi %mul3A_0, %add3A_139 : i32
      "tpu.region"() ({
        %run_scoped3A = tpu.sem_alloc : memref<!tpu.dma_semaphore, #tpu.memory_space<semaphore_mem>>
        %dma_start3A_141 = arith.constant 9480 : i32
        %dma_start3A_142 = arith.constant 0 : i32
        %dma_start3A_143 = tpu.memref_slice %arg23[%dma_start3A_141, %dma_start3A_142] : memref<10016x128xf32, #tpu.memory_space<vmem_shared>> -> memref<536x128xf32, #tpu.memory_space<vmem_shared>>
        %dma_start3A_144 = arith.constant 0 : i32
        %dma_start3A_145 = tpu.memref_slice %arg3[%add3A_140, %dma_start3A_144] : memref<20480x128xf32, #tpu.memory_space<hbm>> -> memref<536x128xf32, #tpu.memory_space<hbm>>
        tpu.enqueue_dma source(%dma_start3A_145 : memref<536x128xf32, #tpu.memory_space<hbm>>) target(%dma_start3A_143 : memref<536x128xf32, #tpu.memory_space<vmem_shared>>) target_semaphore(%run_scoped3A : memref<!tpu.dma_semaphore, #tpu.memory_space<semaphore_mem>>)
        %dma_wait3A_146 = arith.constant 9480 : i32
        %dma_wait3A_147 = arith.constant 0 : i32
        %dma_wait3A_148 = tpu.memref_slice %arg23[%dma_wait3A_146, %dma_wait3A_147] : memref<10016x128xf32, #tpu.memory_space<vmem_shared>> -> memref<536x128xf32, #tpu.memory_space<vmem_shared>>
        %dma_wait3A_149 = arith.constant 0 : i32
        %dma_wait3A_150 = tpu.memref_slice %arg3[%add3A_140, %dma_wait3A_149] : memref<20480x128xf32, #tpu.memory_space<hbm>> -> memref<536x128xf32, #tpu.memory_space<hbm>>
        tpu.wait_dma2 semaphore(%run_scoped3A : memref<!tpu.dma_semaphore, #tpu.memory_space<semaphore_mem>>) src(%dma_wait3A_150 : memref<536x128xf32, #tpu.memory_space<hbm>>) dst(%dma_wait3A_148 : memref<536x128xf32, #tpu.memory_space<vmem_shared>>)
        tpu.yield
      }) : () -> ()
    } else {
    }
    %barrier3A = arith.constant 0 : index
    tpu.barrier barrier_id(%barrier3A)
    %mul3A_7 = arith.constant 10368 : i32
    %mul3A_8 = arith.muli %arg1, %mul3A_7 : i32
    %add3A = arith.constant 0 : i32
    %add3A_9 = arith.addi %mul3A_8, %add3A : i32
    %multiple_of3A = tpu.assume_multiple %add3A_9, 8 : i32
    %dma_start3A = tpu.memref_slice %arg4[%multiple_of3A] : memref<165888xi32, #tpu.memory_space<hbm>> -> memref<128xi32, #tpu.memory_space<hbm>>
    %dma_start3A_10 = tpu.memref_slice %arg4[%multiple_of3A] : memref<165888xi32, #tpu.memory_space<hbm>> -> memref<128xi32, #tpu.memory_space<hbm>>
    tpu.enqueue_dma source(%dma_start3A_10 : memref<128xi32, #tpu.memory_space<hbm>>) target(%arg8 : memref<128xi32, #tpu.memory_space<vmem>>) target_semaphore(%arg24 : memref<!tpu.dma_semaphore, #tpu.memory_space<semaphore_mem>>)
    %dma_start3A_11 = tpu.memref_slice %arg5[%multiple_of3A] : memref<165888xi32, #tpu.memory_space<hbm>> -> memref<128xi32, #tpu.memory_space<hbm>>
    %dma_start3A_12 = tpu.memref_slice %arg5[%multiple_of3A] : memref<165888xi32, #tpu.memory_space<hbm>> -> memref<128xi32, #tpu.memory_space<hbm>>
    tpu.enqueue_dma source(%dma_start3A_12 : memref<128xi32, #tpu.memory_space<hbm>>) target(%arg9 : memref<128xi32, #tpu.memory_space<vmem>>) target_semaphore(%arg24 : memref<!tpu.dma_semaphore, #tpu.memory_space<semaphore_mem>>)
    %add3A_13 = arith.constant 128 : i32
    %add3A_14 = arith.addi %mul3A_8, %add3A_13 : i32
    %multiple_of3A_15 = tpu.assume_multiple %add3A_14, 8 : i32
    %dma_start3A_16 = tpu.memref_slice %arg4[%multiple_of3A_15] : memref<165888xi32, #tpu.memory_space<hbm>> -> memref<128xi32, #tpu.memory_space<hbm>>
    %dma_start3A_17 = tpu.memref_slice %arg4[%multiple_of3A_15] : memref<165888xi32, #tpu.memory_space<hbm>> -> memref<128xi32, #tpu.memory_space<hbm>>
    tpu.enqueue_dma source(%dma_start3A_17 : memref<128xi32, #tpu.memory_space<hbm>>) target(%arg13 : memref<128xi32, #tpu.memory_space<vmem>>) target_semaphore(%arg25 : memref<!tpu.dma_semaphore, #tpu.memory_space<semaphore_mem>>)
    %dma_start3A_18 = tpu.memref_slice %arg5[%multiple_of3A_15] : memref<165888xi32, #tpu.memory_space<hbm>> -> memref<128xi32, #tpu.memory_space<hbm>>
    %dma_start3A_19 = tpu.memref_slice %arg5[%multiple_of3A_15] : memref<165888xi32, #tpu.memory_space<hbm>> -> memref<128xi32, #tpu.memory_space<hbm>>
    tpu.enqueue_dma source(%dma_start3A_19 : memref<128xi32, #tpu.memory_space<hbm>>) target(%arg14 : memref<128xi32, #tpu.memory_space<vmem>>) target_semaphore(%arg25 : memref<!tpu.dma_semaphore, #tpu.memory_space<semaphore_mem>>)
    %add3A_20 = arith.constant 256 : i32
    %add3A_21 = arith.addi %mul3A_8, %add3A_20 : i32
    %multiple_of3A_22 = tpu.assume_multiple %add3A_21, 8 : i32
    %dma_start3A_23 = tpu.memref_slice %arg4[%multiple_of3A_22] : memref<165888xi32, #tpu.memory_space<hbm>> -> memref<128xi32, #tpu.memory_space<hbm>>
    %dma_start3A_24 = tpu.memref_slice %arg4[%multiple_of3A_22] : memref<165888xi32, #tpu.memory_space<hbm>> -> memref<128xi32, #tpu.memory_space<hbm>>
    tpu.enqueue_dma source(%dma_start3A_24 : memref<128xi32, #tpu.memory_space<hbm>>) target(%arg18 : memref<128xi32, #tpu.memory_space<vmem>>) target_semaphore(%arg26 : memref<!tpu.dma_semaphore, #tpu.memory_space<semaphore_mem>>)
    %dma_start3A_25 = tpu.memref_slice %arg5[%multiple_of3A_22] : memref<165888xi32, #tpu.memory_space<hbm>> -> memref<128xi32, #tpu.memory_space<hbm>>
    %dma_start3A_26 = tpu.memref_slice %arg5[%multiple_of3A_22] : memref<165888xi32, #tpu.memory_space<hbm>> -> memref<128xi32, #tpu.memory_space<hbm>>
    tpu.enqueue_dma source(%dma_start3A_26 : memref<128xi32, #tpu.memory_space<hbm>>) target(%arg19 : memref<128xi32, #tpu.memory_space<vmem>>) target_semaphore(%arg26 : memref<!tpu.dma_semaphore, #tpu.memory_space<semaphore_mem>>)
    %scan3A = arith.constant 0 : i32
    %scan3A_27 = arith.constant 0 : i32
    %scan3A_28 = arith.constant 27 : i32
    %scan3A_29 = arith.addi %scan3A_27, %scan3A_28 : i32
    %scan3A_30 = arith.constant 1 : i32
    scf.for %scan3A_139 = %scan3A_27 to %scan3A_29 step %scan3A_30  : i32 {
      %dma_wait3A_140 = tpu.memref_slice %arg4[%mul3A_8] : memref<165888xi32, #tpu.memory_space<hbm>> -> memref<128xi32, #tpu.memory_space<hbm>>
      %dma_wait3A_141 = tpu.memref_slice %arg4[%mul3A_8] : memref<165888xi32, #tpu.memory_space<hbm>> -> memref<128xi32, #tpu.memory_space<hbm>>
      tpu.wait_dma2 semaphore(%arg24 : memref<!tpu.dma_semaphore, #tpu.memory_space<semaphore_mem>>) src(%dma_wait3A_141 : memref<128xi32, #tpu.memory_space<hbm>>) dst(%arg8 : memref<128xi32, #tpu.memory_space<vmem>>)
      %dma_wait3A_142 = tpu.memref_slice %arg5[%mul3A_8] : memref<165888xi32, #tpu.memory_space<hbm>> -> memref<128xi32, #tpu.memory_space<hbm>>
      %dma_wait3A_143 = tpu.memref_slice %arg5[%mul3A_8] : memref<165888xi32, #tpu.memory_space<hbm>> -> memref<128xi32, #tpu.memory_space<hbm>>
      tpu.wait_dma2 semaphore(%arg24 : memref<!tpu.dma_semaphore, #tpu.memory_space<semaphore_mem>>) src(%dma_wait3A_143 : memref<128xi32, #tpu.memory_space<hbm>>) dst(%arg9 : memref<128xi32, #tpu.memory_space<vmem>>)
      %gt3A = arith.constant 0 : i32
      %gt3A_144 = arith.cmpi sgt, %scan3A_139, %gt3A : i32
      %convert_element_type3A_145 = arith.extui %gt3A_144 : i1 to i32
      %cond3A_146 = arith.constant 0 : i32
      %cond3A_147 = arith.cmpi ne, %convert_element_type3A_145, %cond3A_146 : i32
      scf.if %cond3A_147 {
        %dma_wait3A_596 = arith.constant 0 : i32
        %dma_wait3A_597 = arith.constant 0 : i32
        %dma_wait3A_598 = tpu.memref_slice %arg23[%dma_wait3A_596, %dma_wait3A_597] : memref<10016x128xf32, #tpu.memory_space<vmem_shared>> -> memref<10016x128xf32, #tpu.memory_space<vmem_shared>>
        tpu.wait_indirect_dma semaphore(%arg30 : memref<!tpu.dma_semaphore, #tpu.memory_space<semaphore_mem>>) src(%arg12 : memref<128x128xf32, #tpu.memory_space<vmem>>) dst(%dma_wait3A_598 : memref<10016x128xf32, #tpu.memory_space<vmem_shared>>)
      } else {
      }
      %get3A = arith.constant 0 : index
      %get3A_148 = tpu.vector_load %arg8[%get3A] {strides = array<i32>} : memref<128xi32, #tpu.memory_space<vmem>>, vector<16xi32>,
      %get3A_149 = vector.shape_cast %get3A_148 : vector<16xi32> to vector<16xi32>
      %add3A_150 = vector.broadcast %mul3A_0 : i32 to vector<16xi32>
      %add3A_151 = arith.addi %get3A_149, %add3A_150 : vector<16xi32>
      %swap3A = arith.constant 0 : index
      %swap3A_152 = tpu.vector_load %arg11[%swap3A] {strides = array<i32>} : memref<128xi32, #tpu.memory_space<vmem>>, vector<16xi32>,
      %swap3A_153 = vector.shape_cast %swap3A_152 : vector<16xi32> to vector<16xi32>
      %swap3A_154 = vector.shape_cast %add3A_151 : vector<16xi32> to vector<16xi32>
      tpu.vector_store %arg11[%swap3A], %swap3A_154 {strides = array<i32>} : memref<128xi32, #tpu.memory_space<vmem>>, vector<16xi32>,
      %get3A_155 = arith.constant 0 : index
      %get3A_156 = tpu.vector_load %arg9[%get3A_155] {strides = array<i32>} : memref<128xi32, #tpu.memory_space<vmem>>, vector<16xi32>,
      %get3A_157 = vector.shape_cast %get3A_156 : vector<16xi32> to vector<16xi32>
      %swap3A_158 = arith.constant 0 : index
      %swap3A_159 = tpu.vector_load %arg10[%swap3A_158] {strides = array<i32>} : memref<128xi32, #tpu.memory_space<vmem>>, vector<16xi32>,
      %swap3A_160 = vector.shape_cast %swap3A_159 : vector<16xi32> to vector<16xi32>
      %swap3A_161 = vector.shape_cast %get3A_157 : vector<16xi32> to vector<16xi32>
      tpu.vector_store %arg10[%swap3A_158], %swap3A_161 {strides = array<i32>} : memref<128xi32, #tpu.memory_space<vmem>>, vector<16xi32>,
      %get3A_162 = arith.constant 16 : index
      %get3A_163 = tpu.vector_load %arg8[%get3A_162] {strides = array<i32>} : memref<128xi32, #tpu.memory_space<vmem>>, vector<16xi32>,
      %get3A_164 = vector.shape_cast %get3A_163 : vector<16xi32> to vector<16xi32>
      %add3A_165 = vector.broadcast %mul3A_0 : i32 to vector<16xi32>
      %add3A_166 = arith.addi %get3A_164, %add3A_165 : vector<16xi32>
      %swap3A_167 = arith.constant 16 : index
      %swap3A_168 = tpu.vector_load %arg11[%swap3A_167] {strides = array<i32>} : memref<128xi32, #tpu.memory_space<vmem>>, vector<16xi32>,
      %swap3A_169 = vector.shape_cast %swap3A_168 : vector<16xi32> to vector<16xi32>
      %swap3A_170 = vector.shape_cast %add3A_166 : vector<16xi32> to vector<16xi32>
      tpu.vector_store %arg11[%swap3A_167], %swap3A_170 {strides = array<i32>} : memref<128xi32, #tpu.memory_space<vmem>>, vector<16xi32>,
      %get3A_171 = arith.constant 16 : index
      %get3A_172 = tpu.vector_load %arg9[%get3A_171] {strides = array<i32>} : memref<128xi32, #tpu.memory_space<vmem>>, vector<16xi32>,
      %get3A_173 = vector.shape_cast %get3A_172 : vector<16xi32> to vector<16xi32>
      %swap3A_174 = arith.constant 16 : index
      %swap3A_175 = tpu.vector_load %arg10[%swap3A_174] {strides = array<i32>} : memref<128xi32, #tpu.memory_space<vmem>>, vector<16xi32>,
      %swap3A_176 = vector.shape_cast %swap3A_175 : vector<16xi32> to vector<16xi32>
      %swap3A_177 = vector.shape_cast %get3A_173 : vector<16xi32> to vector<16xi32>
      tpu.vector_store %arg10[%swap3A_174], %swap3A_177 {strides = array<i32>} : memref<128xi32, #tpu.memory_space<vmem>>, vector<16xi32>,
      %get3A_178 = arith.constant 32 : index
      %get3A_179 = tpu.vector_load %arg8[%get3A_178] {strides = array<i32>} : memref<128xi32, #tpu.memory_space<vmem>>, vector<16xi32>,
      %get3A_180 = vector.shape_cast %get3A_179 : vector<16xi32> to vector<16xi32>
      %add3A_181 = vector.broadcast %mul3A_0 : i32 to vector<16xi32>
      %add3A_182 = arith.addi %get3A_180, %add3A_181 : vector<16xi32>
      %swap3A_183 = arith.constant 32 : index
      %swap3A_184 = tpu.vector_load %arg11[%swap3A_183] {strides = array<i32>} : memref<128xi32, #tpu.memory_space<vmem>>, vector<16xi32>,
      %swap3A_185 = vector.shape_cast %swap3A_184 : vector<16xi32> to vector<16xi32>
      %swap3A_186 = vector.shape_cast %add3A_182 : vector<16xi32> to vector<16xi32>
      tpu.vector_store %arg11[%swap3A_183], %swap3A_186 {strides = array<i32>} : memref<128xi32, #tpu.memory_space<vmem>>, vector<16xi32>,
      %get3A_187 = arith.constant 32 : index
      %get3A_188 = tpu.vector_load %arg9[%get3A_187] {strides = array<i32>} : memref<128xi32, #tpu.memory_space<vmem>>, vector<16xi32>,
      %get3A_189 = vector.shape_cast %get3A_188 : vector<16xi32> to vector<16xi32>
      %swap3A_190 = arith.constant 32 : index
      %swap3A_191 = tpu.vector_load %arg10[%swap3A_190] {strides = array<i32>} : memref<128xi32, #tpu.memory_space<vmem>>, vector<16xi32>,
      %swap3A_192 = vector.shape_cast %swap3A_191 : vector<16xi32> to vector<16xi32>
      %swap3A_193 = vector.shape_cast %get3A_189 : vector<16xi32> to vector<16xi32>
      tpu.vector_store %arg10[%swap3A_190], %swap3A_193 {strides = array<i32>} : memref<128xi32, #tpu.memory_space<vmem>>, vector<16xi32>,
      %get3A_194 = arith.constant 48 : index
      %get3A_195 = tpu.vector_load %arg8[%get3A_194] {strides = array<i32>} : memref<128xi32, #tpu.memory_space<vmem>>, vector<16xi32>,
      %get3A_196 = vector.shape_cast %get3A_195 : vector<16xi32> to vector<16xi32>
      %add3A_197 = vector.broadcast %mul3A_0 : i32 to vector<16xi32>
      %add3A_198 = arith.addi %get3A_196, %add3A_197 : vector<16xi32>
      %swap3A_199 = arith.constant 48 : index
      %swap3A_200 = tpu.vector_load %arg11[%swap3A_199] {strides = array<i32>} : memref<128xi32, #tpu.memory_space<vmem>>, vector<16xi32>,
      %swap3A_201 = vector.shape_cast %swap3A_200 : vector<16xi32> to vector<16xi32>
      %swap3A_202 = vector.shape_cast %add3A_198 : vector<16xi32> to vector<16xi32>
      tpu.vector_store %arg11[%swap3A_199], %swap3A_202 {strides = array<i32>} : memref<128xi32, #tpu.memory_space<vmem>>, vector<16xi32>,
      %get3A_203 = arith.constant 48 : index
      %get3A_204 = tpu.vector_load %arg9[%get3A_203] {strides = array<i32>} : memref<128xi32, #tpu.memory_space<vmem>>, vector<16xi32>,
      %get3A_205 = vector.shape_cast %get3A_204 : vector<16xi32> to vector<16xi32>
      %swap3A_206 = arith.constant 48 : index
      %swap3A_207 = tpu.vector_load %arg10[%swap3A_206] {strides = array<i32>} : memref<128xi32, #tpu.memory_space<vmem>>, vector<16xi32>,
      %swap3A_208 = vector.shape_cast %swap3A_207 : vector<16xi32> to vector<16xi32>
      %swap3A_209 = vector.shape_cast %get3A_205 : vector<16xi32> to vector<16xi32>
      tpu.vector_store %arg10[%swap3A_206], %swap3A_209 {strides = array<i32>} : memref<128xi32, #tpu.memory_space<vmem>>, vector<16xi32>,
      %get3A_210 = arith.constant 64 : index
      %get3A_211 = tpu.vector_load %arg8[%get3A_210] {strides = array<i32>} : memref<128xi32, #tpu.memory_space<vmem>>, vector<16xi32>,
      %get3A_212 = vector.shape_cast %get3A_211 : vector<16xi32> to vector<16xi32>
      %add3A_213 = vector.broadcast %mul3A_0 : i32 to vector<16xi32>
      %add3A_214 = arith.addi %get3A_212, %add3A_213 : vector<16xi32>
      %swap3A_215 = arith.constant 64 : index
      %swap3A_216 = tpu.vector_load %arg11[%swap3A_215] {strides = array<i32>} : memref<128xi32, #tpu.memory_space<vmem>>, vector<16xi32>,
      %swap3A_217 = vector.shape_cast %swap3A_216 : vector<16xi32> to vector<16xi32>
      %swap3A_218 = vector.shape_cast %add3A_214 : vector<16xi32> to vector<16xi32>
      tpu.vector_store %arg11[%swap3A_215], %swap3A_218 {strides = array<i32>} : memref<128xi32, #tpu.memory_space<vmem>>, vector<16xi32>,
      %get3A_219 = arith.constant 64 : index
      %get3A_220 = tpu.vector_load %arg9[%get3A_219] {strides = array<i32>} : memref<128xi32, #tpu.memory_space<vmem>>, vector<16xi32>,
      %get3A_221 = vector.shape_cast %get3A_220 : vector<16xi32> to vector<16xi32>
      %swap3A_222 = arith.constant 64 : index
      %swap3A_223 = tpu.vector_load %arg10[%swap3A_222] {strides = array<i32>} : memref<128xi32, #tpu.memory_space<vmem>>, vector<16xi32>,
      %swap3A_224 = vector.shape_cast %swap3A_223 : vector<16xi32> to vector<16xi32>
      %swap3A_225 = vector.shape_cast %get3A_221 : vector<16xi32> to vector<16xi32>
      tpu.vector_store %arg10[%swap3A_222], %swap3A_225 {strides = array<i32>} : memref<128xi32, #tpu.memory_space<vmem>>, vector<16xi32>,
      %get3A_226 = arith.constant 80 : index
      %get3A_227 = tpu.vector_load %arg8[%get3A_226] {strides = array<i32>} : memref<128xi32, #tpu.memory_space<vmem>>, vector<16xi32>,
      %get3A_228 = vector.shape_cast %get3A_227 : vector<16xi32> to vector<16xi32>
      %add3A_229 = vector.broadcast %mul3A_0 : i32 to vector<16xi32>
      %add3A_230 = arith.addi %get3A_228, %add3A_229 : vector<16xi32>
      %swap3A_231 = arith.constant 80 : index
      %swap3A_232 = tpu.vector_load %arg11[%swap3A_231] {strides = array<i32>} : memref<128xi32, #tpu.memory_space<vmem>>, vector<16xi32>,
      %swap3A_233 = vector.shape_cast %swap3A_232 : vector<16xi32> to vector<16xi32>
      %swap3A_234 = vector.shape_cast %add3A_230 : vector<16xi32> to vector<16xi32>
      tpu.vector_store %arg11[%swap3A_231], %swap3A_234 {strides = array<i32>} : memref<128xi32, #tpu.memory_space<vmem>>, vector<16xi32>,
      %get3A_235 = arith.constant 80 : index
      %get3A_236 = tpu.vector_load %arg9[%get3A_235] {strides = array<i32>} : memref<128xi32, #tpu.memory_space<vmem>>, vector<16xi32>,
      %get3A_237 = vector.shape_cast %get3A_236 : vector<16xi32> to vector<16xi32>
      %swap3A_238 = arith.constant 80 : index
      %swap3A_239 = tpu.vector_load %arg10[%swap3A_238] {strides = array<i32>} : memref<128xi32, #tpu.memory_space<vmem>>, vector<16xi32>,
      %swap3A_240 = vector.shape_cast %swap3A_239 : vector<16xi32> to vector<16xi32>
      %swap3A_241 = vector.shape_cast %get3A_237 : vector<16xi32> to vector<16xi32>
      tpu.vector_store %arg10[%swap3A_238], %swap3A_241 {strides = array<i32>} : memref<128xi32, #tpu.memory_space<vmem>>, vector<16xi32>,
      %get3A_242 = arith.constant 96 : index
      %get3A_243 = tpu.vector_load %arg8[%get3A_242] {strides = array<i32>} : memref<128xi32, #tpu.memory_space<vmem>>, vector<16xi32>,
      %get3A_244 = vector.shape_cast %get3A_243 : vector<16xi32> to vector<16xi32>
      %add3A_245 = vector.broadcast %mul3A_0 : i32 to vector<16xi32>
      %add3A_246 = arith.addi %get3A_244, %add3A_245 : vector<16xi32>
      %swap3A_247 = arith.constant 96 : index
      %swap3A_248 = tpu.vector_load %arg11[%swap3A_247] {strides = array<i32>} : memref<128xi32, #tpu.memory_space<vmem>>, vector<16xi32>,
      %swap3A_249 = vector.shape_cast %swap3A_248 : vector<16xi32> to vector<16xi32>
      %swap3A_250 = vector.shape_cast %add3A_246 : vector<16xi32> to vector<16xi32>
      tpu.vector_store %arg11[%swap3A_247], %swap3A_250 {strides = array<i32>} : memref<128xi32, #tpu.memory_space<vmem>>, vector<16xi32>,
      %get3A_251 = arith.constant 96 : index
      %get3A_252 = tpu.vector_load %arg9[%get3A_251] {strides = array<i32>} : memref<128xi32, #tpu.memory_space<vmem>>, vector<16xi32>,
      %get3A_253 = vector.shape_cast %get3A_252 : vector<16xi32> to vector<16xi32>
      %swap3A_254 = arith.constant 96 : index
      %swap3A_255 = tpu.vector_load %arg10[%swap3A_254] {strides = array<i32>} : memref<128xi32, #tpu.memory_space<vmem>>, vector<16xi32>,
      %swap3A_256 = vector.shape_cast %swap3A_255 : vector<16xi32> to vector<16xi32>
      %swap3A_257 = vector.shape_cast %get3A_253 : vector<16xi32> to vector<16xi32>
      tpu.vector_store %arg10[%swap3A_254], %swap3A_257 {strides = array<i32>} : memref<128xi32, #tpu.memory_space<vmem>>, vector<16xi32>,
      %get3A_258 = arith.constant 112 : index
      %get3A_259 = tpu.vector_load %arg8[%get3A_258] {strides = array<i32>} : memref<128xi32, #tpu.memory_space<vmem>>, vector<16xi32>,
      %get3A_260 = vector.shape_cast %get3A_259 : vector<16xi32> to vector<16xi32>
      %add3A_261 = vector.broadcast %mul3A_0 : i32 to vector<16xi32>
      %add3A_262 = arith.addi %get3A_260, %add3A_261 : vector<16xi32>
      %swap3A_263 = arith.constant 112 : index
      %swap3A_264 = tpu.vector_load %arg11[%swap3A_263] {strides = array<i32>} : memref<128xi32, #tpu.memory_space<vmem>>, vector<16xi32>,
      %swap3A_265 = vector.shape_cast %swap3A_264 : vector<16xi32> to vector<16xi32>
      %swap3A_266 = vector.shape_cast %add3A_262 : vector<16xi32> to vector<16xi32>
      tpu.vector_store %arg11[%swap3A_263], %swap3A_266 {strides = array<i32>} : memref<128xi32, #tpu.memory_space<vmem>>, vector<16xi32>,
      %get3A_267 = arith.constant 112 : index
      %get3A_268 = tpu.vector_load %arg9[%get3A_267] {strides = array<i32>} : memref<128xi32, #tpu.memory_space<vmem>>, vector<16xi32>,
      %get3A_269 = vector.shape_cast %get3A_268 : vector<16xi32> to vector<16xi32>
      %swap3A_270 = arith.constant 112 : index
      %swap3A_271 = tpu.vector_load %arg10[%swap3A_270] {strides = array<i32>} : memref<128xi32, #tpu.memory_space<vmem>>, vector<16xi32>,
      %swap3A_272 = vector.shape_cast %swap3A_271 : vector<16xi32> to vector<16xi32>
      %swap3A_273 = vector.shape_cast %get3A_269 : vector<16xi32> to vector<16xi32>
      tpu.vector_store %arg10[%swap3A_270], %swap3A_273 {strides = array<i32>} : memref<128xi32, #tpu.memory_space<vmem>>, vector<16xi32>,
      %dma_start3A_274 = arith.constant 0 : i32
      %dma_start3A_275 = arith.constant 0 : i32
      %dma_start3A_276 = tpu.memref_slice %arg2[%dma_start3A_274, %dma_start3A_275] : memref<20480x128xf32, #tpu.memory_space<hbm>> -> memref<20480x128xf32, #tpu.memory_space<hbm>>
      tpu.enqueue_indirect_dma source(%dma_start3A_276 : memref<20480x128xf32, #tpu.memory_space<hbm>>) target(%arg12 : memref<128x128xf32, #tpu.memory_space<vmem>>) offsets(%arg11 : memref<128xi32, #tpu.memory_space<vmem>>) semaphore(%arg27 : memref<!tpu.dma_semaphore, #tpu.memory_space<semaphore_mem>>)
      %dma_wait3A_277 = tpu.memref_slice %arg4[%mul3A_8] : memref<165888xi32, #tpu.memory_space<hbm>> -> memref<128xi32, #tpu.memory_space<hbm>>
      %dma_wait3A_278 = tpu.memref_slice %arg4[%mul3A_8] : memref<165888xi32, #tpu.memory_space<hbm>> -> memref<128xi32, #tpu.memory_space<hbm>>
      tpu.wait_dma2 semaphore(%arg25 : memref<!tpu.dma_semaphore, #tpu.memory_space<semaphore_mem>>) src(%dma_wait3A_278 : memref<128xi32, #tpu.memory_space<hbm>>) dst(%arg13 : memref<128xi32, #tpu.memory_space<vmem>>)
      %dma_wait3A_279 = tpu.memref_slice %arg5[%mul3A_8] : memref<165888xi32, #tpu.memory_space<hbm>> -> memref<128xi32, #tpu.memory_space<hbm>>
      %dma_wait3A_280 = tpu.memref_slice %arg5[%mul3A_8] : memref<165888xi32, #tpu.memory_space<hbm>> -> memref<128xi32, #tpu.memory_space<hbm>>
      tpu.wait_dma2 semaphore(%arg25 : memref<!tpu.dma_semaphore, #tpu.memory_space<semaphore_mem>>) src(%dma_wait3A_280 : memref<128xi32, #tpu.memory_space<hbm>>) dst(%arg14 : memref<128xi32, #tpu.memory_space<vmem>>)
      %gt3A_281 = arith.constant 0 : i32
      %gt3A_282 = arith.cmpi sgt, %scan3A_139, %gt3A_281 : i32
      %convert_element_type3A_283 = arith.extui %gt3A_282 : i1 to i32
      %cond3A_284 = arith.constant 0 : i32
      %cond3A_285 = arith.cmpi ne, %convert_element_type3A_283, %cond3A_284 : i32
      scf.if %cond3A_285 {
        %dma_wait3A_596 = arith.constant 0 : i32
        %dma_wait3A_597 = arith.constant 0 : i32
        %dma_wait3A_598 = tpu.memref_slice %arg23[%dma_wait3A_596, %dma_wait3A_597] : memref<10016x128xf32, #tpu.memory_space<vmem_shared>> -> memref<10016x128xf32, #tpu.memory_space<vmem_shared>>
        tpu.wait_indirect_dma semaphore(%arg31 : memref<!tpu.dma_semaphore, #tpu.memory_space<semaphore_mem>>) src(%arg17 : memref<128x128xf32, #tpu.memory_space<vmem>>) dst(%dma_wait3A_598 : memref<10016x128xf32, #tpu.memory_space<vmem_shared>>)
      } else {
      }
      %get3A_286 = arith.constant 0 : index
      %get3A_287 = tpu.vector_load %arg13[%get3A_286] {strides = array<i32>} : memref<128xi32, #tpu.memory_space<vmem>>, vector<16xi32>,
      %get3A_288 = vector.shape_cast %get3A_287 : vector<16xi32> to vector<16xi32>
      %add3A_289 = vector.broadcast %mul3A_0 : i32 to vector<16xi32>
      %add3A_290 = arith.addi %get3A_288, %add3A_289 : vector<16xi32>
      %swap3A_291 = arith.constant 0 : index
      %swap3A_292 = tpu.vector_load %arg16[%swap3A_291] {strides = array<i32>} : memref<128xi32, #tpu.memory_space<vmem>>, vector<16xi32>,
      %swap3A_293 = vector.shape_cast %swap3A_292 : vector<16xi32> to vector<16xi32>
      %swap3A_294 = vector.shape_cast %add3A_290 : vector<16xi32> to vector<16xi32>
      tpu.vector_store %arg16[%swap3A_291], %swap3A_294 {strides = array<i32>} : memref<128xi32, #tpu.memory_space<vmem>>, vector<16xi32>,
      %get3A_295 = arith.constant 0 : index
      %get3A_296 = tpu.vector_load %arg14[%get3A_295] {strides = array<i32>} : memref<128xi32, #tpu.memory_space<vmem>>, vector<16xi32>,
      %get3A_297 = vector.shape_cast %get3A_296 : vector<16xi32> to vector<16xi32>
      %swap3A_298 = arith.constant 0 : index
      %swap3A_299 = tpu.vector_load %arg15[%swap3A_298] {strides = array<i32>} : memref<128xi32, #tpu.memory_space<vmem>>, vector<16xi32>,
      %swap3A_300 = vector.shape_cast %swap3A_299 : vector<16xi32> to vector<16xi32>
      %swap3A_301 = vector.shape_cast %get3A_297 : vector<16xi32> to vector<16xi32>
      tpu.vector_store %arg15[%swap3A_298], %swap3A_301 {strides = array<i32>} : memref<128xi32, #tpu.memory_space<vmem>>, vector<16xi32>,
      %get3A_302 = arith.constant 16 : index
      %get3A_303 = tpu.vector_load %arg13[%get3A_302] {strides = array<i32>} : memref<128xi32, #tpu.memory_space<vmem>>, vector<16xi32>,
      %get3A_304 = vector.shape_cast %get3A_303 : vector<16xi32> to vector<16xi32>
      %add3A_305 = vector.broadcast %mul3A_0 : i32 to vector<16xi32>
      %add3A_306 = arith.addi %get3A_304, %add3A_305 : vector<16xi32>
      %swap3A_307 = arith.constant 16 : index
      %swap3A_308 = tpu.vector_load %arg16[%swap3A_307] {strides = array<i32>} : memref<128xi32, #tpu.memory_space<vmem>>, vector<16xi32>,
      %swap3A_309 = vector.shape_cast %swap3A_308 : vector<16xi32> to vector<16xi32>
      %swap3A_310 = vector.shape_cast %add3A_306 : vector<16xi32> to vector<16xi32>
      tpu.vector_store %arg16[%swap3A_307], %swap3A_310 {strides = array<i32>} : memref<128xi32, #tpu.memory_space<vmem>>, vector<16xi32>,
      %get3A_311 = arith.constant 16 : index
      %get3A_312 = tpu.vector_load %arg14[%get3A_311] {strides = array<i32>} : memref<128xi32, #tpu.memory_space<vmem>>, vector<16xi32>,
      %get3A_313 = vector.shape_cast %get3A_312 : vector<16xi32> to vector<16xi32>
      %swap3A_314 = arith.constant 16 : index
      %swap3A_315 = tpu.vector_load %arg15[%swap3A_314] {strides = array<i32>} : memref<128xi32, #tpu.memory_space<vmem>>, vector<16xi32>,
      %swap3A_316 = vector.shape_cast %swap3A_315 : vector<16xi32> to vector<16xi32>
      %swap3A_317 = vector.shape_cast %get3A_313 : vector<16xi32> to vector<16xi32>
      tpu.vector_store %arg15[%swap3A_314], %swap3A_317 {strides = array<i32>} : memref<128xi32, #tpu.memory_space<vmem>>, vector<16xi32>,
      %get3A_318 = arith.constant 32 : index
      %get3A_319 = tpu.vector_load %arg13[%get3A_318] {strides = array<i32>} : memref<128xi32, #tpu.memory_space<vmem>>, vector<16xi32>,
      %get3A_320 = vector.shape_cast %get3A_319 : vector<16xi32> to vector<16xi32>
      %add3A_321 = vector.broadcast %mul3A_0 : i32 to vector<16xi32>
      %add3A_322 = arith.addi %get3A_320, %add3A_321 : vector<16xi32>
      %swap3A_323 = arith.constant 32 : index
      %swap3A_324 = tpu.vector_load %arg16[%swap3A_323] {strides = array<i32>} : memref<128xi32, #tpu.memory_space<vmem>>, vector<16xi32>,
      %swap3A_325 = vector.shape_cast %swap3A_324 : vector<16xi32> to vector<16xi32>
      %swap3A_326 = vector.shape_cast %add3A_322 : vector<16xi32> to vector<16xi32>
      tpu.vector_store %arg16[%swap3A_323], %swap3A_326 {strides = array<i32>} : memref<128xi32, #tpu.memory_space<vmem>>, vector<16xi32>,
      %get3A_327 = arith.constant 32 : index
      %get3A_328 = tpu.vector_load %arg14[%get3A_327] {strides = array<i32>} : memref<128xi32, #tpu.memory_space<vmem>>, vector<16xi32>,
      %get3A_329 = vector.shape_cast %get3A_328 : vector<16xi32> to vector<16xi32>
      %swap3A_330 = arith.constant 32 : index
      %swap3A_331 = tpu.vector_load %arg15[%swap3A_330] {strides = array<i32>} : memref<128xi32, #tpu.memory_space<vmem>>, vector<16xi32>,
      %swap3A_332 = vector.shape_cast %swap3A_331 : vector<16xi32> to vector<16xi32>
      %swap3A_333 = vector.shape_cast %get3A_329 : vector<16xi32> to vector<16xi32>
      tpu.vector_store %arg15[%swap3A_330], %swap3A_333 {strides = array<i32>} : memref<128xi32, #tpu.memory_space<vmem>>, vector<16xi32>,
      %get3A_334 = arith.constant 48 : index
      %get3A_335 = tpu.vector_load %arg13[%get3A_334] {strides = array<i32>} : memref<128xi32, #tpu.memory_space<vmem>>, vector<16xi32>,
      %get3A_336 = vector.shape_cast %get3A_335 : vector<16xi32> to vector<16xi32>
      %add3A_337 = vector.broadcast %mul3A_0 : i32 to vector<16xi32>
      %add3A_338 = arith.addi %get3A_336, %add3A_337 : vector<16xi32>
      %swap3A_339 = arith.constant 48 : index
      %swap3A_340 = tpu.vector_load %arg16[%swap3A_339] {strides = array<i32>} : memref<128xi32, #tpu.memory_space<vmem>>, vector<16xi32>,
      %swap3A_341 = vector.shape_cast %swap3A_340 : vector<16xi32> to vector<16xi32>
      %swap3A_342 = vector.shape_cast %add3A_338 : vector<16xi32> to vector<16xi32>
      tpu.vector_store %arg16[%swap3A_339], %swap3A_342 {strides = array<i32>} : memref<128xi32, #tpu.memory_space<vmem>>, vector<16xi32>,
      %get3A_343 = arith.constant 48 : index
      %get3A_344 = tpu.vector_load %arg14[%get3A_343] {strides = array<i32>} : memref<128xi32, #tpu.memory_space<vmem>>, vector<16xi32>,
      %get3A_345 = vector.shape_cast %get3A_344 : vector<16xi32> to vector<16xi32>
      %swap3A_346 = arith.constant 48 : index
      %swap3A_347 = tpu.vector_load %arg15[%swap3A_346] {strides = array<i32>} : memref<128xi32, #tpu.memory_space<vmem>>, vector<16xi32>,
      %swap3A_348 = vector.shape_cast %swap3A_347 : vector<16xi32> to vector<16xi32>
      %swap3A_349 = vector.shape_cast %get3A_345 : vector<16xi32> to vector<16xi32>
      tpu.vector_store %arg15[%swap3A_346], %swap3A_349 {strides = array<i32>} : memref<128xi32, #tpu.memory_space<vmem>>, vector<16xi32>,
      %get3A_350 = arith.constant 64 : index
      %get3A_351 = tpu.vector_load %arg13[%get3A_350] {strides = array<i32>} : memref<128xi32, #tpu.memory_space<vmem>>, vector<16xi32>,
      %get3A_352 = vector.shape_cast %get3A_351 : vector<16xi32> to vector<16xi32>
      %add3A_353 = vector.broadcast %mul3A_0 : i32 to vector<16xi32>
      %add3A_354 = arith.addi %get3A_352, %add3A_353 : vector<16xi32>
      %swap3A_355 = arith.constant 64 : index
      %swap3A_356 = tpu.vector_load %arg16[%swap3A_355] {strides = array<i32>} : memref<128xi32, #tpu.memory_space<vmem>>, vector<16xi32>,
      %swap3A_357 = vector.shape_cast %swap3A_356 : vector<16xi32> to vector<16xi32>
      %swap3A_358 = vector.shape_cast %add3A_354 : vector<16xi32> to vector<16xi32>
      tpu.vector_store %arg16[%swap3A_355], %swap3A_358 {strides = array<i32>} : memref<128xi32, #tpu.memory_space<vmem>>, vector<16xi32>,
      %get3A_359 = arith.constant 64 : index
      %get3A_360 = tpu.vector_load %arg14[%get3A_359] {strides = array<i32>} : memref<128xi32, #tpu.memory_space<vmem>>, vector<16xi32>,
      %get3A_361 = vector.shape_cast %get3A_360 : vector<16xi32> to vector<16xi32>
      %swap3A_362 = arith.constant 64 : index
      %swap3A_363 = tpu.vector_load %arg15[%swap3A_362] {strides = array<i32>} : memref<128xi32, #tpu.memory_space<vmem>>, vector<16xi32>,
      %swap3A_364 = vector.shape_cast %swap3A_363 : vector<16xi32> to vector<16xi32>
      %swap3A_365 = vector.shape_cast %get3A_361 : vector<16xi32> to vector<16xi32>
      tpu.vector_store %arg15[%swap3A_362], %swap3A_365 {strides = array<i32>} : memref<128xi32, #tpu.memory_space<vmem>>, vector<16xi32>,
      %get3A_366 = arith.constant 80 : index
      %get3A_367 = tpu.vector_load %arg13[%get3A_366] {strides = array<i32>} : memref<128xi32, #tpu.memory_space<vmem>>, vector<16xi32>,
      %get3A_368 = vector.shape_cast %get3A_367 : vector<16xi32> to vector<16xi32>
      %add3A_369 = vector.broadcast %mul3A_0 : i32 to vector<16xi32>
      %add3A_370 = arith.addi %get3A_368, %add3A_369 : vector<16xi32>
      %swap3A_371 = arith.constant 80 : index
      %swap3A_372 = tpu.vector_load %arg16[%swap3A_371] {strides = array<i32>} : memref<128xi32, #tpu.memory_space<vmem>>, vector<16xi32>,
      %swap3A_373 = vector.shape_cast %swap3A_372 : vector<16xi32> to vector<16xi32>
      %swap3A_374 = vector.shape_cast %add3A_370 : vector<16xi32> to vector<16xi32>
      tpu.vector_store %arg16[%swap3A_371], %swap3A_374 {strides = array<i32>} : memref<128xi32, #tpu.memory_space<vmem>>, vector<16xi32>,
      %get3A_375 = arith.constant 80 : index
      %get3A_376 = tpu.vector_load %arg14[%get3A_375] {strides = array<i32>} : memref<128xi32, #tpu.memory_space<vmem>>, vector<16xi32>,
      %get3A_377 = vector.shape_cast %get3A_376 : vector<16xi32> to vector<16xi32>
      %swap3A_378 = arith.constant 80 : index
      %swap3A_379 = tpu.vector_load %arg15[%swap3A_378] {strides = array<i32>} : memref<128xi32, #tpu.memory_space<vmem>>, vector<16xi32>,
      %swap3A_380 = vector.shape_cast %swap3A_379 : vector<16xi32> to vector<16xi32>
      %swap3A_381 = vector.shape_cast %get3A_377 : vector<16xi32> to vector<16xi32>
      tpu.vector_store %arg15[%swap3A_378], %swap3A_381 {strides = array<i32>} : memref<128xi32, #tpu.memory_space<vmem>>, vector<16xi32>,
      %get3A_382 = arith.constant 96 : index
      %get3A_383 = tpu.vector_load %arg13[%get3A_382] {strides = array<i32>} : memref<128xi32, #tpu.memory_space<vmem>>, vector<16xi32>,
      %get3A_384 = vector.shape_cast %get3A_383 : vector<16xi32> to vector<16xi32>
      %add3A_385 = vector.broadcast %mul3A_0 : i32 to vector<16xi32>
      %add3A_386 = arith.addi %get3A_384, %add3A_385 : vector<16xi32>
      %swap3A_387 = arith.constant 96 : index
      %swap3A_388 = tpu.vector_load %arg16[%swap3A_387] {strides = array<i32>} : memref<128xi32, #tpu.memory_space<vmem>>, vector<16xi32>,
      %swap3A_389 = vector.shape_cast %swap3A_388 : vector<16xi32> to vector<16xi32>
      %swap3A_390 = vector.shape_cast %add3A_386 : vector<16xi32> to vector<16xi32>
      tpu.vector_store %arg16[%swap3A_387], %swap3A_390 {strides = array<i32>} : memref<128xi32, #tpu.memory_space<vmem>>, vector<16xi32>,
      %get3A_391 = arith.constant 96 : index
      %get3A_392 = tpu.vector_load %arg14[%get3A_391] {strides = array<i32>} : memref<128xi32, #tpu.memory_space<vmem>>, vector<16xi32>,
      %get3A_393 = vector.shape_cast %get3A_392 : vector<16xi32> to vector<16xi32>
      %swap3A_394 = arith.constant 96 : index
      %swap3A_395 = tpu.vector_load %arg15[%swap3A_394] {strides = array<i32>} : memref<128xi32, #tpu.memory_space<vmem>>, vector<16xi32>,
      %swap3A_396 = vector.shape_cast %swap3A_395 : vector<16xi32> to vector<16xi32>
      %swap3A_397 = vector.shape_cast %get3A_393 : vector<16xi32> to vector<16xi32>
      tpu.vector_store %arg15[%swap3A_394], %swap3A_397 {strides = array<i32>} : memref<128xi32, #tpu.memory_space<vmem>>, vector<16xi32>,
      %get3A_398 = arith.constant 112 : index
      %get3A_399 = tpu.vector_load %arg13[%get3A_398] {strides = array<i32>} : memref<128xi32, #tpu.memory_space<vmem>>, vector<16xi32>,
      %get3A_400 = vector.shape_cast %get3A_399 : vector<16xi32> to vector<16xi32>
      %add3A_401 = vector.broadcast %mul3A_0 : i32 to vector<16xi32>
      %add3A_402 = arith.addi %get3A_400, %add3A_401 : vector<16xi32>
      %swap3A_403 = arith.constant 112 : index
      %swap3A_404 = tpu.vector_load %arg16[%swap3A_403] {strides = array<i32>} : memref<128xi32, #tpu.memory_space<vmem>>, vector<16xi32>,
      %swap3A_405 = vector.shape_cast %swap3A_404 : vector<16xi32> to vector<16xi32>
      %swap3A_406 = vector.shape_cast %add3A_402 : vector<16xi32> to vector<16xi32>
      tpu.vector_store %arg16[%swap3A_403], %swap3A_406 {strides = array<i32>} : memref<128xi32, #tpu.memory_space<vmem>>, vector<16xi32>,
      %get3A_407 = arith.constant 112 : index
      %get3A_408 = tpu.vector_load %arg14[%get3A_407] {strides = array<i32>} : memref<128xi32, #tpu.memory_space<vmem>>, vector<16xi32>,
      %get3A_409 = vector.shape_cast %get3A_408 : vector<16xi32> to vector<16xi32>
      %swap3A_410 = arith.constant 112 : index
      %swap3A_411 = tpu.vector_load %arg15[%swap3A_410] {strides = array<i32>} : memref<128xi32, #tpu.memory_space<vmem>>, vector<16xi32>,
      %swap3A_412 = vector.shape_cast %swap3A_411 : vector<16xi32> to vector<16xi32>
      %swap3A_413 = vector.shape_cast %get3A_409 : vector<16xi32> to vector<16xi32>
      tpu.vector_store %arg15[%swap3A_410], %swap3A_413 {strides = array<i32>} : memref<128xi32, #tpu.memory_space<vmem>>, vector<16xi32>,
      %dma_start3A_414 = arith.constant 0 : i32
      %dma_start3A_415 = arith.constant 0 : i32
      %dma_start3A_416 = tpu.memref_slice %arg2[%dma_start3A_414, %dma_start3A_415] : memref<20480x128xf32, #tpu.memory_space<hbm>> -> memref<20480x128xf32, #tpu.memory_space<hbm>>
      tpu.enqueue_indirect_dma source(%dma_start3A_416 : memref<20480x128xf32, #tpu.memory_space<hbm>>) target(%arg17 : memref<128x128xf32, #tpu.memory_space<vmem>>) offsets(%arg16 : memref<128xi32, #tpu.memory_space<vmem>>) semaphore(%arg28 : memref<!tpu.dma_semaphore, #tpu.memory_space<semaphore_mem>>)
      %dma_wait3A_417 = tpu.memref_slice %arg4[%mul3A_8] : memref<165888xi32, #tpu.memory_space<hbm>> -> memref<128xi32, #tpu.memory_space<hbm>>
      %dma_wait3A_418 = tpu.memref_slice %arg4[%mul3A_8] : memref<165888xi32, #tpu.memory_space<hbm>> -> memref<128xi32, #tpu.memory_space<hbm>>
      tpu.wait_dma2 semaphore(%arg26 : memref<!tpu.dma_semaphore, #tpu.memory_space<semaphore_mem>>) src(%dma_wait3A_418 : memref<128xi32, #tpu.memory_space<hbm>>) dst(%arg18 : memref<128xi32, #tpu.memory_space<vmem>>)
      %dma_wait3A_419 = tpu.memref_slice %arg5[%mul3A_8] : memref<165888xi32, #tpu.memory_space<hbm>> -> memref<128xi32, #tpu.memory_space<hbm>>
      %dma_wait3A_420 = tpu.memref_slice %arg5[%mul3A_8] : memref<165888xi32, #tpu.memory_space<hbm>> -> memref<128xi32, #tpu.memory_space<hbm>>
      tpu.wait_dma2 semaphore(%arg26 : memref<!tpu.dma_semaphore, #tpu.memory_space<semaphore_mem>>) src(%dma_wait3A_420 : memref<128xi32, #tpu.memory_space<hbm>>) dst(%arg19 : memref<128xi32, #tpu.memory_space<vmem>>)
      %gt3A_421 = arith.constant 0 : i32
      %gt3A_422 = arith.cmpi sgt, %scan3A_139, %gt3A_421 : i32
      %convert_element_type3A_423 = arith.extui %gt3A_422 : i1 to i32
      %cond3A_424 = arith.constant 0 : i32
      %cond3A_425 = arith.cmpi ne, %convert_element_type3A_423, %cond3A_424 : i32
      scf.if %cond3A_425 {
        %dma_wait3A_596 = arith.constant 0 : i32
        %dma_wait3A_597 = arith.constant 0 : i32
        %dma_wait3A_598 = tpu.memref_slice %arg23[%dma_wait3A_596, %dma_wait3A_597] : memref<10016x128xf32, #tpu.memory_space<vmem_shared>> -> memref<10016x128xf32, #tpu.memory_space<vmem_shared>>
        tpu.wait_indirect_dma semaphore(%arg32 : memref<!tpu.dma_semaphore, #tpu.memory_space<semaphore_mem>>) src(%arg22 : memref<128x128xf32, #tpu.memory_space<vmem>>) dst(%dma_wait3A_598 : memref<10016x128xf32, #tpu.memory_space<vmem_shared>>)
      } else {
      }
      %get3A_426 = arith.constant 0 : index
      %get3A_427 = tpu.vector_load %arg18[%get3A_426] {strides = array<i32>} : memref<128xi32, #tpu.memory_space<vmem>>, vector<16xi32>,
      %get3A_428 = vector.shape_cast %get3A_427 : vector<16xi32> to vector<16xi32>
      %add3A_429 = vector.broadcast %mul3A_0 : i32 to vector<16xi32>
      %add3A_430 = arith.addi %get3A_428, %add3A_429 : vector<16xi32>
      %swap3A_431 = arith.constant 0 : index
      %swap3A_432 = tpu.vector_load %arg21[%swap3A_431] {strides = array<i32>} : memref<128xi32, #tpu.memory_space<vmem>>, vector<16xi32>,
      %swap3A_433 = vector.shape_cast %swap3A_432 : vector<16xi32> to vector<16xi32>
      %swap3A_434 = vector.shape_cast %add3A_430 : vector<16xi32> to vector<16xi32>
      tpu.vector_store %arg21[%swap3A_431], %swap3A_434 {strides = array<i32>} : memref<128xi32, #tpu.memory_space<vmem>>, vector<16xi32>,
      %get3A_435 = arith.constant 0 : index
      %get3A_436 = tpu.vector_load %arg19[%get3A_435] {strides = array<i32>} : memref<128xi32, #tpu.memory_space<vmem>>, vector<16xi32>,
      %get3A_437 = vector.shape_cast %get3A_436 : vector<16xi32> to vector<16xi32>
      %swap3A_438 = arith.constant 0 : index
      %swap3A_439 = tpu.vector_load %arg20[%swap3A_438] {strides = array<i32>} : memref<128xi32, #tpu.memory_space<vmem>>, vector<16xi32>,
      %swap3A_440 = vector.shape_cast %swap3A_439 : vector<16xi32> to vector<16xi32>
      %swap3A_441 = vector.shape_cast %get3A_437 : vector<16xi32> to vector<16xi32>
      tpu.vector_store %arg20[%swap3A_438], %swap3A_441 {strides = array<i32>} : memref<128xi32, #tpu.memory_space<vmem>>, vector<16xi32>,
      %get3A_442 = arith.constant 16 : index
      %get3A_443 = tpu.vector_load %arg18[%get3A_442] {strides = array<i32>} : memref<128xi32, #tpu.memory_space<vmem>>, vector<16xi32>,
      %get3A_444 = vector.shape_cast %get3A_443 : vector<16xi32> to vector<16xi32>
      %add3A_445 = vector.broadcast %mul3A_0 : i32 to vector<16xi32>
      %add3A_446 = arith.addi %get3A_444, %add3A_445 : vector<16xi32>
      %swap3A_447 = arith.constant 16 : index
      %swap3A_448 = tpu.vector_load %arg21[%swap3A_447] {strides = array<i32>} : memref<128xi32, #tpu.memory_space<vmem>>, vector<16xi32>,
      %swap3A_449 = vector.shape_cast %swap3A_448 : vector<16xi32> to vector<16xi32>
      %swap3A_450 = vector.shape_cast %add3A_446 : vector<16xi32> to vector<16xi32>
      tpu.vector_store %arg21[%swap3A_447], %swap3A_450 {strides = array<i32>} : memref<128xi32, #tpu.memory_space<vmem>>, vector<16xi32>,
      %get3A_451 = arith.constant 16 : index
      %get3A_452 = tpu.vector_load %arg19[%get3A_451] {strides = array<i32>} : memref<128xi32, #tpu.memory_space<vmem>>, vector<16xi32>,
      %get3A_453 = vector.shape_cast %get3A_452 : vector<16xi32> to vector<16xi32>
      %swap3A_454 = arith.constant 16 : index
      %swap3A_455 = tpu.vector_load %arg20[%swap3A_454] {strides = array<i32>} : memref<128xi32, #tpu.memory_space<vmem>>, vector<16xi32>,
      %swap3A_456 = vector.shape_cast %swap3A_455 : vector<16xi32> to vector<16xi32>
      %swap3A_457 = vector.shape_cast %get3A_453 : vector<16xi32> to vector<16xi32>
      tpu.vector_store %arg20[%swap3A_454], %swap3A_457 {strides = array<i32>} : memref<128xi32, #tpu.memory_space<vmem>>, vector<16xi32>,
      %get3A_458 = arith.constant 32 : index
      %get3A_459 = tpu.vector_load %arg18[%get3A_458] {strides = array<i32>} : memref<128xi32, #tpu.memory_space<vmem>>, vector<16xi32>,
      %get3A_460 = vector.shape_cast %get3A_459 : vector<16xi32> to vector<16xi32>
      %add3A_461 = vector.broadcast %mul3A_0 : i32 to vector<16xi32>
      %add3A_462 = arith.addi %get3A_460, %add3A_461 : vector<16xi32>
      %swap3A_463 = arith.constant 32 : index
      %swap3A_464 = tpu.vector_load %arg21[%swap3A_463] {strides = array<i32>} : memref<128xi32, #tpu.memory_space<vmem>>, vector<16xi32>,
      %swap3A_465 = vector.shape_cast %swap3A_464 : vector<16xi32> to vector<16xi32>
      %swap3A_466 = vector.shape_cast %add3A_462 : vector<16xi32> to vector<16xi32>
      tpu.vector_store %arg21[%swap3A_463], %swap3A_466 {strides = array<i32>} : memref<128xi32, #tpu.memory_space<vmem>>, vector<16xi32>,
      %get3A_467 = arith.constant 32 : index
      %get3A_468 = tpu.vector_load %arg19[%get3A_467] {strides = array<i32>} : memref<128xi32, #tpu.memory_space<vmem>>, vector<16xi32>,
      %get3A_469 = vector.shape_cast %get3A_468 : vector<16xi32> to vector<16xi32>
      %swap3A_470 = arith.constant 32 : index
      %swap3A_471 = tpu.vector_load %arg20[%swap3A_470] {strides = array<i32>} : memref<128xi32, #tpu.memory_space<vmem>>, vector<16xi32>,
      %swap3A_472 = vector.shape_cast %swap3A_471 : vector<16xi32> to vector<16xi32>
      %swap3A_473 = vector.shape_cast %get3A_469 : vector<16xi32> to vector<16xi32>
      tpu.vector_store %arg20[%swap3A_470], %swap3A_473 {strides = array<i32>} : memref<128xi32, #tpu.memory_space<vmem>>, vector<16xi32>,
      %get3A_474 = arith.constant 48 : index
      %get3A_475 = tpu.vector_load %arg18[%get3A_474] {strides = array<i32>} : memref<128xi32, #tpu.memory_space<vmem>>, vector<16xi32>,
      %get3A_476 = vector.shape_cast %get3A_475 : vector<16xi32> to vector<16xi32>
      %add3A_477 = vector.broadcast %mul3A_0 : i32 to vector<16xi32>
      %add3A_478 = arith.addi %get3A_476, %add3A_477 : vector<16xi32>
      %swap3A_479 = arith.constant 48 : index
      %swap3A_480 = tpu.vector_load %arg21[%swap3A_479] {strides = array<i32>} : memref<128xi32, #tpu.memory_space<vmem>>, vector<16xi32>,
      %swap3A_481 = vector.shape_cast %swap3A_480 : vector<16xi32> to vector<16xi32>
      %swap3A_482 = vector.shape_cast %add3A_478 : vector<16xi32> to vector<16xi32>
      tpu.vector_store %arg21[%swap3A_479], %swap3A_482 {strides = array<i32>} : memref<128xi32, #tpu.memory_space<vmem>>, vector<16xi32>,
      %get3A_483 = arith.constant 48 : index
      %get3A_484 = tpu.vector_load %arg19[%get3A_483] {strides = array<i32>} : memref<128xi32, #tpu.memory_space<vmem>>, vector<16xi32>,
      %get3A_485 = vector.shape_cast %get3A_484 : vector<16xi32> to vector<16xi32>
      %swap3A_486 = arith.constant 48 : index
      %swap3A_487 = tpu.vector_load %arg20[%swap3A_486] {strides = array<i32>} : memref<128xi32, #tpu.memory_space<vmem>>, vector<16xi32>,
      %swap3A_488 = vector.shape_cast %swap3A_487 : vector<16xi32> to vector<16xi32>
      %swap3A_489 = vector.shape_cast %get3A_485 : vector<16xi32> to vector<16xi32>
      tpu.vector_store %arg20[%swap3A_486], %swap3A_489 {strides = array<i32>} : memref<128xi32, #tpu.memory_space<vmem>>, vector<16xi32>,
      %get3A_490 = arith.constant 64 : index
      %get3A_491 = tpu.vector_load %arg18[%get3A_490] {strides = array<i32>} : memref<128xi32, #tpu.memory_space<vmem>>, vector<16xi32>,
      %get3A_492 = vector.shape_cast %get3A_491 : vector<16xi32> to vector<16xi32>
      %add3A_493 = vector.broadcast %mul3A_0 : i32 to vector<16xi32>
      %add3A_494 = arith.addi %get3A_492, %add3A_493 : vector<16xi32>
      %swap3A_495 = arith.constant 64 : index
      %swap3A_496 = tpu.vector_load %arg21[%swap3A_495] {strides = array<i32>} : memref<128xi32, #tpu.memory_space<vmem>>, vector<16xi32>,
      %swap3A_497 = vector.shape_cast %swap3A_496 : vector<16xi32> to vector<16xi32>
      %swap3A_498 = vector.shape_cast %add3A_494 : vector<16xi32> to vector<16xi32>
      tpu.vector_store %arg21[%swap3A_495], %swap3A_498 {strides = array<i32>} : memref<128xi32, #tpu.memory_space<vmem>>, vector<16xi32>,
      %get3A_499 = arith.constant 64 : index
      %get3A_500 = tpu.vector_load %arg19[%get3A_499] {strides = array<i32>} : memref<128xi32, #tpu.memory_space<vmem>>, vector<16xi32>,
      %get3A_501 = vector.shape_cast %get3A_500 : vector<16xi32> to vector<16xi32>
      %swap3A_502 = arith.constant 64 : index
      %swap3A_503 = tpu.vector_load %arg20[%swap3A_502] {strides = array<i32>} : memref<128xi32, #tpu.memory_space<vmem>>, vector<16xi32>,
      %swap3A_504 = vector.shape_cast %swap3A_503 : vector<16xi32> to vector<16xi32>
      %swap3A_505 = vector.shape_cast %get3A_501 : vector<16xi32> to vector<16xi32>
      tpu.vector_store %arg20[%swap3A_502], %swap3A_505 {strides = array<i32>} : memref<128xi32, #tpu.memory_space<vmem>>, vector<16xi32>,
      %get3A_506 = arith.constant 80 : index
      %get3A_507 = tpu.vector_load %arg18[%get3A_506] {strides = array<i32>} : memref<128xi32, #tpu.memory_space<vmem>>, vector<16xi32>,
      %get3A_508 = vector.shape_cast %get3A_507 : vector<16xi32> to vector<16xi32>
      %add3A_509 = vector.broadcast %mul3A_0 : i32 to vector<16xi32>
      %add3A_510 = arith.addi %get3A_508, %add3A_509 : vector<16xi32>
      %swap3A_511 = arith.constant 80 : index
      %swap3A_512 = tpu.vector_load %arg21[%swap3A_511] {strides = array<i32>} : memref<128xi32, #tpu.memory_space<vmem>>, vector<16xi32>,
      %swap3A_513 = vector.shape_cast %swap3A_512 : vector<16xi32> to vector<16xi32>
      %swap3A_514 = vector.shape_cast %add3A_510 : vector<16xi32> to vector<16xi32>
      tpu.vector_store %arg21[%swap3A_511], %swap3A_514 {strides = array<i32>} : memref<128xi32, #tpu.memory_space<vmem>>, vector<16xi32>,
      %get3A_515 = arith.constant 80 : index
      %get3A_516 = tpu.vector_load %arg19[%get3A_515] {strides = array<i32>} : memref<128xi32, #tpu.memory_space<vmem>>, vector<16xi32>,
      %get3A_517 = vector.shape_cast %get3A_516 : vector<16xi32> to vector<16xi32>
      %swap3A_518 = arith.constant 80 : index
      %swap3A_519 = tpu.vector_load %arg20[%swap3A_518] {strides = array<i32>} : memref<128xi32, #tpu.memory_space<vmem>>, vector<16xi32>,
      %swap3A_520 = vector.shape_cast %swap3A_519 : vector<16xi32> to vector<16xi32>
      %swap3A_521 = vector.shape_cast %get3A_517 : vector<16xi32> to vector<16xi32>
      tpu.vector_store %arg20[%swap3A_518], %swap3A_521 {strides = array<i32>} : memref<128xi32, #tpu.memory_space<vmem>>, vector<16xi32>,
      %get3A_522 = arith.constant 96 : index
      %get3A_523 = tpu.vector_load %arg18[%get3A_522] {strides = array<i32>} : memref<128xi32, #tpu.memory_space<vmem>>, vector<16xi32>,
      %get3A_524 = vector.shape_cast %get3A_523 : vector<16xi32> to vector<16xi32>
      %add3A_525 = vector.broadcast %mul3A_0 : i32 to vector<16xi32>
      %add3A_526 = arith.addi %get3A_524, %add3A_525 : vector<16xi32>
      %swap3A_527 = arith.constant 96 : index
      %swap3A_528 = tpu.vector_load %arg21[%swap3A_527] {strides = array<i32>} : memref<128xi32, #tpu.memory_space<vmem>>, vector<16xi32>,
      %swap3A_529 = vector.shape_cast %swap3A_528 : vector<16xi32> to vector<16xi32>
      %swap3A_530 = vector.shape_cast %add3A_526 : vector<16xi32> to vector<16xi32>
      tpu.vector_store %arg21[%swap3A_527], %swap3A_530 {strides = array<i32>} : memref<128xi32, #tpu.memory_space<vmem>>, vector<16xi32>,
      %get3A_531 = arith.constant 96 : index
      %get3A_532 = tpu.vector_load %arg19[%get3A_531] {strides = array<i32>} : memref<128xi32, #tpu.memory_space<vmem>>, vector<16xi32>,
      %get3A_533 = vector.shape_cast %get3A_532 : vector<16xi32> to vector<16xi32>
      %swap3A_534 = arith.constant 96 : index
      %swap3A_535 = tpu.vector_load %arg20[%swap3A_534] {strides = array<i32>} : memref<128xi32, #tpu.memory_space<vmem>>, vector<16xi32>,
      %swap3A_536 = vector.shape_cast %swap3A_535 : vector<16xi32> to vector<16xi32>
      %swap3A_537 = vector.shape_cast %get3A_533 : vector<16xi32> to vector<16xi32>
      tpu.vector_store %arg20[%swap3A_534], %swap3A_537 {strides = array<i32>} : memref<128xi32, #tpu.memory_space<vmem>>, vector<16xi32>,
      %get3A_538 = arith.constant 112 : index
      %get3A_539 = tpu.vector_load %arg18[%get3A_538] {strides = array<i32>} : memref<128xi32, #tpu.memory_space<vmem>>, vector<16xi32>,
      %get3A_540 = vector.shape_cast %get3A_539 : vector<16xi32> to vector<16xi32>
      %add3A_541 = vector.broadcast %mul3A_0 : i32 to vector<16xi32>
      %add3A_542 = arith.addi %get3A_540, %add3A_541 : vector<16xi32>
      %swap3A_543 = arith.constant 112 : index
      %swap3A_544 = tpu.vector_load %arg21[%swap3A_543] {strides = array<i32>} : memref<128xi32, #tpu.memory_space<vmem>>, vector<16xi32>,
      %swap3A_545 = vector.shape_cast %swap3A_544 : vector<16xi32> to vector<16xi32>
      %swap3A_546 = vector.shape_cast %add3A_542 : vector<16xi32> to vector<16xi32>
      tpu.vector_store %arg21[%swap3A_543], %swap3A_546 {strides = array<i32>} : memref<128xi32, #tpu.memory_space<vmem>>, vector<16xi32>,
      %get3A_547 = arith.constant 112 : index
      %get3A_548 = tpu.vector_load %arg19[%get3A_547] {strides = array<i32>} : memref<128xi32, #tpu.memory_space<vmem>>, vector<16xi32>,
      %get3A_549 = vector.shape_cast %get3A_548 : vector<16xi32> to vector<16xi32>
      %swap3A_550 = arith.constant 112 : index
      %swap3A_551 = tpu.vector_load %arg20[%swap3A_550] {strides = array<i32>} : memref<128xi32, #tpu.memory_space<vmem>>, vector<16xi32>,
      %swap3A_552 = vector.shape_cast %swap3A_551 : vector<16xi32> to vector<16xi32>
      %swap3A_553 = vector.shape_cast %get3A_549 : vector<16xi32> to vector<16xi32>
      tpu.vector_store %arg20[%swap3A_550], %swap3A_553 {strides = array<i32>} : memref<128xi32, #tpu.memory_space<vmem>>, vector<16xi32>,
      %dma_start3A_554 = arith.constant 0 : i32
      %dma_start3A_555 = arith.constant 0 : i32
      %dma_start3A_556 = tpu.memref_slice %arg2[%dma_start3A_554, %dma_start3A_555] : memref<20480x128xf32, #tpu.memory_space<hbm>> -> memref<20480x128xf32, #tpu.memory_space<hbm>>
      tpu.enqueue_indirect_dma source(%dma_start3A_556 : memref<20480x128xf32, #tpu.memory_space<hbm>>) target(%arg22 : memref<128x128xf32, #tpu.memory_space<vmem>>) offsets(%arg21 : memref<128xi32, #tpu.memory_space<vmem>>) semaphore(%arg29 : memref<!tpu.dma_semaphore, #tpu.memory_space<semaphore_mem>>)
      %dma_wait3A_557 = arith.constant 0 : i32
      %dma_wait3A_558 = arith.constant 0 : i32
      %dma_wait3A_559 = tpu.memref_slice %arg2[%dma_wait3A_557, %dma_wait3A_558] : memref<20480x128xf32, #tpu.memory_space<hbm>> -> memref<20480x128xf32, #tpu.memory_space<hbm>>
      tpu.wait_indirect_dma semaphore(%arg27 : memref<!tpu.dma_semaphore, #tpu.memory_space<semaphore_mem>>) src(%dma_wait3A_559 : memref<20480x128xf32, #tpu.memory_space<hbm>>) dst(%arg12 : memref<128x128xf32, #tpu.memory_space<vmem>>)
      %add3A_560 = arith.constant 1 : i32
      %add3A_561 = arith.addi %scan3A_139, %add3A_560 : i32
      %lt3A_562 = arith.constant 27 : i32
      %lt3A_563 = arith.cmpi slt, %add3A_561, %lt3A_562 : i32
      %convert_element_type3A_564 = arith.extui %lt3A_563 : i1 to i32
      %cond3A_565 = arith.constant 0 : i32
      %cond3A_566 = arith.cmpi ne, %convert_element_type3A_564, %cond3A_565 : i32
      scf.if %cond3A_566 {
        %add3A_596 = arith.constant 1 : i32
        %add3A_597 = arith.addi %scan3A_139, %add3A_596 : i32
        %mul3A_598 = arith.constant 3 : i32
        %mul3A_599 = arith.muli %mul3A_598, %add3A_597 : i32
        %add3A_600 = arith.constant 0 : i32
        %add3A_601 = arith.addi %mul3A_599, %add3A_600 : i32
        %mul3A_602 = arith.constant 128 : i32
        %mul3A_603 = arith.muli %add3A_601, %mul3A_602 : i32
        %add3A_604 = arith.addi %mul3A_8, %mul3A_603 : i32
        %multiple_of3A_605 = tpu.assume_multiple %add3A_604, 8 : i32
        %dma_start3A_606 = tpu.memref_slice %arg4[%multiple_of3A_605] : memref<165888xi32, #tpu.memory_space<hbm>> -> memref<128xi32, #tpu.memory_space<hbm>>
        %dma_start3A_607 = tpu.memref_slice %arg4[%multiple_of3A_605] : memref<165888xi32, #tpu.memory_space<hbm>> -> memref<128xi32, #tpu.memory_space<hbm>>
        tpu.enqueue_dma source(%dma_start3A_607 : memref<128xi32, #tpu.memory_space<hbm>>) target(%arg8 : memref<128xi32, #tpu.memory_space<vmem>>) target_semaphore(%arg24 : memref<!tpu.dma_semaphore, #tpu.memory_space<semaphore_mem>>)
        %dma_start3A_608 = tpu.memref_slice %arg5[%multiple_of3A_605] : memref<165888xi32, #tpu.memory_space<hbm>> -> memref<128xi32, #tpu.memory_space<hbm>>
        %dma_start3A_609 = tpu.memref_slice %arg5[%multiple_of3A_605] : memref<165888xi32, #tpu.memory_space<hbm>> -> memref<128xi32, #tpu.memory_space<hbm>>
        tpu.enqueue_dma source(%dma_start3A_609 : memref<128xi32, #tpu.memory_space<hbm>>) target(%arg9 : memref<128xi32, #tpu.memory_space<vmem>>) target_semaphore(%arg24 : memref<!tpu.dma_semaphore, #tpu.memory_space<semaphore_mem>>)
      } else {
      }
      %dma_start3A_567 = arith.constant 0 : i32
      %dma_start3A_568 = arith.constant 0 : i32
      %dma_start3A_569 = tpu.memref_slice %arg23[%dma_start3A_567, %dma_start3A_568] : memref<10016x128xf32, #tpu.memory_space<vmem_shared>> -> memref<10016x128xf32, #tpu.memory_space<vmem_shared>>
      tpu.enqueue_indirect_dma source(%arg12 : memref<128x128xf32, #tpu.memory_space<vmem>>) target(%dma_start3A_569 : memref<10016x128xf32, #tpu.memory_space<vmem_shared>>) offsets(%arg10 : memref<128xi32, #tpu.memory_space<vmem>>) semaphore(%arg30 : memref<!tpu.dma_semaphore, #tpu.memory_space<semaphore_mem>>) {add = true}
      %dma_wait3A_570 = arith.constant 0 : i32
      %dma_wait3A_571 = arith.constant 0 : i32
      %dma_wait3A_572 = tpu.memref_slice %arg2[%dma_wait3A_570, %dma_wait3A_571] : memref<20480x128xf32, #tpu.memory_space<hbm>> -> memref<20480x128xf32, #tpu.memory_space<hbm>>
      tpu.wait_indirect_dma semaphore(%arg28 : memref<!tpu.dma_semaphore, #tpu.memory_space<semaphore_mem>>) src(%dma_wait3A_572 : memref<20480x128xf32, #tpu.memory_space<hbm>>) dst(%arg17 : memref<128x128xf32, #tpu.memory_space<vmem>>)
      %add3A_573 = arith.constant 1 : i32
      %add3A_574 = arith.addi %scan3A_139, %add3A_573 : i32
      %lt3A_575 = arith.constant 27 : i32
      %lt3A_576 = arith.cmpi slt, %add3A_574, %lt3A_575 : i32
      %convert_element_type3A_577 = arith.extui %lt3A_576 : i1 to i32
      %cond3A_578 = arith.constant 0 : i32
      %cond3A_579 = arith.cmpi ne, %convert_element_type3A_577, %cond3A_578 : i32
      scf.if %cond3A_579 {
        %add3A_596 = arith.constant 1 : i32
        %add3A_597 = arith.addi %scan3A_139, %add3A_596 : i32
        %mul3A_598 = arith.constant 3 : i32
        %mul3A_599 = arith.muli %mul3A_598, %add3A_597 : i32
        %add3A_600 = arith.constant 1 : i32
        %add3A_601 = arith.addi %mul3A_599, %add3A_600 : i32
        %mul3A_602 = arith.constant 128 : i32
        %mul3A_603 = arith.muli %add3A_601, %mul3A_602 : i32
        %add3A_604 = arith.addi %mul3A_8, %mul3A_603 : i32
        %multiple_of3A_605 = tpu.assume_multiple %add3A_604, 8 : i32
        %dma_start3A_606 = tpu.memref_slice %arg4[%multiple_of3A_605] : memref<165888xi32, #tpu.memory_space<hbm>> -> memref<128xi32, #tpu.memory_space<hbm>>
        %dma_start3A_607 = tpu.memref_slice %arg4[%multiple_of3A_605] : memref<165888xi32, #tpu.memory_space<hbm>> -> memref<128xi32, #tpu.memory_space<hbm>>
        tpu.enqueue_dma source(%dma_start3A_607 : memref<128xi32, #tpu.memory_space<hbm>>) target(%arg13 : memref<128xi32, #tpu.memory_space<vmem>>) target_semaphore(%arg25 : memref<!tpu.dma_semaphore, #tpu.memory_space<semaphore_mem>>)
        %dma_start3A_608 = tpu.memref_slice %arg5[%multiple_of3A_605] : memref<165888xi32, #tpu.memory_space<hbm>> -> memref<128xi32, #tpu.memory_space<hbm>>
        %dma_start3A_609 = tpu.memref_slice %arg5[%multiple_of3A_605] : memref<165888xi32, #tpu.memory_space<hbm>> -> memref<128xi32, #tpu.memory_space<hbm>>
        tpu.enqueue_dma source(%dma_start3A_609 : memref<128xi32, #tpu.memory_space<hbm>>) target(%arg14 : memref<128xi32, #tpu.memory_space<vmem>>) target_semaphore(%arg25 : memref<!tpu.dma_semaphore, #tpu.memory_space<semaphore_mem>>)
      } else {
      }
      %dma_start3A_580 = arith.constant 0 : i32
      %dma_start3A_581 = arith.constant 0 : i32
      %dma_start3A_582 = tpu.memref_slice %arg23[%dma_start3A_580, %dma_start3A_581] : memref<10016x128xf32, #tpu.memory_space<vmem_shared>> -> memref<10016x128xf32, #tpu.memory_space<vmem_shared>>
      tpu.enqueue_indirect_dma source(%arg17 : memref<128x128xf32, #tpu.memory_space<vmem>>) target(%dma_start3A_582 : memref<10016x128xf32, #tpu.memory_space<vmem_shared>>) offsets(%arg15 : memref<128xi32, #tpu.memory_space<vmem>>) semaphore(%arg31 : memref<!tpu.dma_semaphore, #tpu.memory_space<semaphore_mem>>) {add = true}
      %dma_wait3A_583 = arith.constant 0 : i32
      %dma_wait3A_584 = arith.constant 0 : i32
      %dma_wait3A_585 = tpu.memref_slice %arg2[%dma_wait3A_583, %dma_wait3A_584] : memref<20480x128xf32, #tpu.memory_space<hbm>> -> memref<20480x128xf32, #tpu.memory_space<hbm>>
      tpu.wait_indirect_dma semaphore(%arg29 : memref<!tpu.dma_semaphore, #tpu.memory_space<semaphore_mem>>) src(%dma_wait3A_585 : memref<20480x128xf32, #tpu.memory_space<hbm>>) dst(%arg22 : memref<128x128xf32, #tpu.memory_space<vmem>>)
      %add3A_586 = arith.constant 1 : i32
      %add3A_587 = arith.addi %scan3A_139, %add3A_586 : i32
      %lt3A_588 = arith.constant 27 : i32
      %lt3A_589 = arith.cmpi slt, %add3A_587, %lt3A_588 : i32
      %convert_element_type3A_590 = arith.extui %lt3A_589 : i1 to i32
      %cond3A_591 = arith.constant 0 : i32
      %cond3A_592 = arith.cmpi ne, %convert_element_type3A_590, %cond3A_591 : i32
      scf.if %cond3A_592 {
        %add3A_596 = arith.constant 1 : i32
        %add3A_597 = arith.addi %scan3A_139, %add3A_596 : i32
        %mul3A_598 = arith.constant 3 : i32
        %mul3A_599 = arith.muli %mul3A_598, %add3A_597 : i32
        %add3A_600 = arith.constant 2 : i32
        %add3A_601 = arith.addi %mul3A_599, %add3A_600 : i32
        %mul3A_602 = arith.constant 128 : i32
        %mul3A_603 = arith.muli %add3A_601, %mul3A_602 : i32
        %add3A_604 = arith.addi %mul3A_8, %mul3A_603 : i32
        %multiple_of3A_605 = tpu.assume_multiple %add3A_604, 8 : i32
        %dma_start3A_606 = tpu.memref_slice %arg4[%multiple_of3A_605] : memref<165888xi32, #tpu.memory_space<hbm>> -> memref<128xi32, #tpu.memory_space<hbm>>
        %dma_start3A_607 = tpu.memref_slice %arg4[%multiple_of3A_605] : memref<165888xi32, #tpu.memory_space<hbm>> -> memref<128xi32, #tpu.memory_space<hbm>>
        tpu.enqueue_dma source(%dma_start3A_607 : memref<128xi32, #tpu.memory_space<hbm>>) target(%arg18 : memref<128xi32, #tpu.memory_space<vmem>>) target_semaphore(%arg26 : memref<!tpu.dma_semaphore, #tpu.memory_space<semaphore_mem>>)
        %dma_start3A_608 = tpu.memref_slice %arg5[%multiple_of3A_605] : memref<165888xi32, #tpu.memory_space<hbm>> -> memref<128xi32, #tpu.memory_space<hbm>>
        %dma_start3A_609 = tpu.memref_slice %arg5[%multiple_of3A_605] : memref<165888xi32, #tpu.memory_space<hbm>> -> memref<128xi32, #tpu.memory_space<hbm>>
        tpu.enqueue_dma source(%dma_start3A_609 : memref<128xi32, #tpu.memory_space<hbm>>) target(%arg19 : memref<128xi32, #tpu.memory_space<vmem>>) target_semaphore(%arg26 : memref<!tpu.dma_semaphore, #tpu.memory_space<semaphore_mem>>)
      } else {
      }
      %dma_start3A_593 = arith.constant 0 : i32
      %dma_start3A_594 = arith.constant 0 : i32
      %dma_start3A_595 = tpu.memref_slice %arg23[%dma_start3A_593, %dma_start3A_594] : memref<10016x128xf32, #tpu.memory_space<vmem_shared>> -> memref<10016x128xf32, #tpu.memory_space<vmem_shared>>
      tpu.enqueue_indirect_dma source(%arg22 : memref<128x128xf32, #tpu.memory_space<vmem>>) target(%dma_start3A_595 : memref<10016x128xf32, #tpu.memory_space<vmem_shared>>) offsets(%arg20 : memref<128xi32, #tpu.memory_space<vmem>>) semaphore(%arg32 : memref<!tpu.dma_semaphore, #tpu.memory_space<semaphore_mem>>) {add = true}
    }
    %scan3A_31 = arith.constant 27 : i32
    %dma_wait3A = arith.constant 0 : i32
    %dma_wait3A_32 = arith.constant 0 : i32
    %dma_wait3A_33 = tpu.memref_slice %arg23[%dma_wait3A, %dma_wait3A_32] : memref<10016x128xf32, #tpu.memory_space<vmem_shared>> -> memref<10016x128xf32, #tpu.memory_space<vmem_shared>>
    tpu.wait_indirect_dma semaphore(%arg30 : memref<!tpu.dma_semaphore, #tpu.memory_space<semaphore_mem>>) src(%arg12 : memref<128x128xf32, #tpu.memory_space<vmem>>) dst(%dma_wait3A_33 : memref<10016x128xf32, #tpu.memory_space<vmem_shared>>)
    %dma_wait3A_34 = arith.constant 0 : i32
    %dma_wait3A_35 = arith.constant 0 : i32
    %dma_wait3A_36 = tpu.memref_slice %arg23[%dma_wait3A_34, %dma_wait3A_35] : memref<10016x128xf32, #tpu.memory_space<vmem_shared>> -> memref<10016x128xf32, #tpu.memory_space<vmem_shared>>
    tpu.wait_indirect_dma semaphore(%arg31 : memref<!tpu.dma_semaphore, #tpu.memory_space<semaphore_mem>>) src(%arg17 : memref<128x128xf32, #tpu.memory_space<vmem>>) dst(%dma_wait3A_36 : memref<10016x128xf32, #tpu.memory_space<vmem_shared>>)
    %dma_wait3A_37 = arith.constant 0 : i32
    %dma_wait3A_38 = arith.constant 0 : i32
    %dma_wait3A_39 = tpu.memref_slice %arg23[%dma_wait3A_37, %dma_wait3A_38] : memref<10016x128xf32, #tpu.memory_space<vmem_shared>> -> memref<10016x128xf32, #tpu.memory_space<vmem_shared>>
    tpu.wait_indirect_dma semaphore(%arg32 : memref<!tpu.dma_semaphore, #tpu.memory_space<semaphore_mem>>) src(%arg22 : memref<128x128xf32, #tpu.memory_space<vmem>>) dst(%dma_wait3A_39 : memref<10016x128xf32, #tpu.memory_space<vmem_shared>>)
    %barrier3A_40 = arith.constant 0 : index
    tpu.barrier barrier_id(%barrier3A_40)
    %mul3A_41 = arith.constant 512 : i32
    %mul3A_42 = arith.muli %arg1, %mul3A_41 : i32
    %add3A_43 = arith.constant 0 : i32
    %add3A_44 = arith.addi %mul3A_42, %add3A_43 : i32
    %multiple_of3A_45 = tpu.assume_multiple %add3A_44, 8 : i32
    "tpu.region"() ({
      %run_scoped3A = tpu.sem_alloc : memref<!tpu.dma_semaphore, #tpu.memory_space<semaphore_mem>>
      %dma_start3A_139 = tpu.memref_slice %arg6[%multiple_of3A_45] : memref<8192xi32, #tpu.memory_space<hbm>> -> memref<128xi32, #tpu.memory_space<hbm>>
      %dma_start3A_140 = tpu.memref_slice %arg6[%multiple_of3A_45] : memref<8192xi32, #tpu.memory_space<hbm>> -> memref<128xi32, #tpu.memory_space<hbm>>
      tpu.enqueue_dma source(%dma_start3A_140 : memref<128xi32, #tpu.memory_space<hbm>>) target(%arg8 : memref<128xi32, #tpu.memory_space<vmem>>) target_semaphore(%run_scoped3A : memref<!tpu.dma_semaphore, #tpu.memory_space<semaphore_mem>>)
      %dma_wait3A_141 = tpu.memref_slice %arg6[%multiple_of3A_45] : memref<8192xi32, #tpu.memory_space<hbm>> -> memref<128xi32, #tpu.memory_space<hbm>>
      %dma_wait3A_142 = tpu.memref_slice %arg6[%multiple_of3A_45] : memref<8192xi32, #tpu.memory_space<hbm>> -> memref<128xi32, #tpu.memory_space<hbm>>
      tpu.wait_dma2 semaphore(%run_scoped3A : memref<!tpu.dma_semaphore, #tpu.memory_space<semaphore_mem>>) src(%dma_wait3A_142 : memref<128xi32, #tpu.memory_space<hbm>>) dst(%arg8 : memref<128xi32, #tpu.memory_space<vmem>>)
      tpu.yield
    }) : () -> ()
    %dma_start3A_46 = arith.constant 0 : i32
    %dma_start3A_47 = arith.constant 0 : i32
    %dma_start3A_48 = tpu.memref_slice %arg23[%dma_start3A_46, %dma_start3A_47] : memref<10016x128xf32, #tpu.memory_space<vmem_shared>> -> memref<10016x128xf32, #tpu.memory_space<vmem_shared>>
    tpu.enqueue_indirect_dma source(%dma_start3A_48 : memref<10016x128xf32, #tpu.memory_space<vmem_shared>>) target(%arg12 : memref<128x128xf32, #tpu.memory_space<vmem>>) offsets(%arg8 : memref<128xi32, #tpu.memory_space<vmem>>) semaphore(%arg27 : memref<!tpu.dma_semaphore, #tpu.memory_space<semaphore_mem>>)
    %dma_wait3A_49 = arith.constant 0 : i32
    %dma_wait3A_50 = arith.constant 0 : i32
    %dma_wait3A_51 = tpu.memref_slice %arg23[%dma_wait3A_49, %dma_wait3A_50] : memref<10016x128xf32, #tpu.memory_space<vmem_shared>> -> memref<10016x128xf32, #tpu.memory_space<vmem_shared>>
    tpu.wait_indirect_dma semaphore(%arg27 : memref<!tpu.dma_semaphore, #tpu.memory_space<semaphore_mem>>) src(%dma_wait3A_51 : memref<10016x128xf32, #tpu.memory_space<vmem_shared>>) dst(%arg12 : memref<128x128xf32, #tpu.memory_space<vmem>>)
    %add3A_52 = arith.constant 128 : i32
    %add3A_53 = arith.addi %mul3A_42, %add3A_52 : i32
    %multiple_of3A_54 = tpu.assume_multiple %add3A_53, 8 : i32
    "tpu.region"() ({
      %run_scoped3A = tpu.sem_alloc : memref<!tpu.dma_semaphore, #tpu.memory_space<semaphore_mem>>
      %dma_start3A_139 = tpu.memref_slice %arg6[%multiple_of3A_54] : memref<8192xi32, #tpu.memory_space<hbm>> -> memref<128xi32, #tpu.memory_space<hbm>>
      %dma_start3A_140 = tpu.memref_slice %arg6[%multiple_of3A_54] : memref<8192xi32, #tpu.memory_space<hbm>> -> memref<128xi32, #tpu.memory_space<hbm>>
      tpu.enqueue_dma source(%dma_start3A_140 : memref<128xi32, #tpu.memory_space<hbm>>) target(%arg13 : memref<128xi32, #tpu.memory_space<vmem>>) target_semaphore(%run_scoped3A : memref<!tpu.dma_semaphore, #tpu.memory_space<semaphore_mem>>)
      %dma_wait3A_141 = tpu.memref_slice %arg6[%multiple_of3A_54] : memref<8192xi32, #tpu.memory_space<hbm>> -> memref<128xi32, #tpu.memory_space<hbm>>
      %dma_wait3A_142 = tpu.memref_slice %arg6[%multiple_of3A_54] : memref<8192xi32, #tpu.memory_space<hbm>> -> memref<128xi32, #tpu.memory_space<hbm>>
      tpu.wait_dma2 semaphore(%run_scoped3A : memref<!tpu.dma_semaphore, #tpu.memory_space<semaphore_mem>>) src(%dma_wait3A_142 : memref<128xi32, #tpu.memory_space<hbm>>) dst(%arg13 : memref<128xi32, #tpu.memory_space<vmem>>)
      tpu.yield
    }) : () -> ()
    %dma_start3A_55 = arith.constant 0 : i32
    %dma_start3A_56 = arith.constant 0 : i32
    %dma_start3A_57 = tpu.memref_slice %arg23[%dma_start3A_55, %dma_start3A_56] : memref<10016x128xf32, #tpu.memory_space<vmem_shared>> -> memref<10016x128xf32, #tpu.memory_space<vmem_shared>>
    tpu.enqueue_indirect_dma source(%dma_start3A_57 : memref<10016x128xf32, #tpu.memory_space<vmem_shared>>) target(%arg17 : memref<128x128xf32, #tpu.memory_space<vmem>>) offsets(%arg13 : memref<128xi32, #tpu.memory_space<vmem>>) semaphore(%arg28 : memref<!tpu.dma_semaphore, #tpu.memory_space<semaphore_mem>>)
    %add3A_58 = arith.constant 0 : i32
    %add3A_59 = arith.addi %mul3A_42, %add3A_58 : i32
    %multiple_of3A_60 = tpu.assume_multiple %add3A_59, 8 : i32
    %dma_start3A_61 = arith.constant 0 : i32
    %dma_start3A_62 = tpu.memref_slice %arg7[%arg0, %multiple_of3A_60, %dma_start3A_61] : memref<2x8192x128xf32, #tpu.memory_space<hbm>> -> memref<1x128x128xf32, #tpu.memory_space<hbm>>
    %dma_start3A_63 = tpu.memref_squeeze %dma_start3A_62 : memref<1x128x128xf32, #tpu.memory_space<hbm>> -> memref<128x128xf32, #tpu.memory_space<hbm>>
    %dma_start3A_64 = arith.constant 0 : i32
    %dma_start3A_65 = tpu.memref_slice %arg7[%arg0, %multiple_of3A_60, %dma_start3A_64] : memref<2x8192x128xf32, #tpu.memory_space<hbm>> -> memref<1x128x128xf32, #tpu.memory_space<hbm>>
    %dma_start3A_66 = tpu.memref_squeeze %dma_start3A_65 : memref<1x128x128xf32, #tpu.memory_space<hbm>> -> memref<128x128xf32, #tpu.memory_space<hbm>>
    tpu.enqueue_dma source(%arg12 : memref<128x128xf32, #tpu.memory_space<vmem>>) target(%dma_start3A_66 : memref<128x128xf32, #tpu.memory_space<hbm>>) target_semaphore(%arg30 : memref<!tpu.dma_semaphore, #tpu.memory_space<semaphore_mem>>)
    %dma_wait3A_67 = arith.constant 0 : i32
    %dma_wait3A_68 = arith.constant 0 : i32
    %dma_wait3A_69 = tpu.memref_slice %arg23[%dma_wait3A_67, %dma_wait3A_68] : memref<10016x128xf32, #tpu.memory_space<vmem_shared>> -> memref<10016x128xf32, #tpu.memory_space<vmem_shared>>
    tpu.wait_indirect_dma semaphore(%arg28 : memref<!tpu.dma_semaphore, #tpu.memory_space<semaphore_mem>>) src(%dma_wait3A_69 : memref<10016x128xf32, #tpu.memory_space<vmem_shared>>) dst(%arg17 : memref<128x128xf32, #tpu.memory_space<vmem>>)
    %add3A_70 = arith.constant 256 : i32
    %add3A_71 = arith.addi %mul3A_42, %add3A_70 : i32
    %multiple_of3A_72 = tpu.assume_multiple %add3A_71, 8 : i32
    "tpu.region"() ({
      %run_scoped3A = tpu.sem_alloc : memref<!tpu.dma_semaphore, #tpu.memory_space<semaphore_mem>>
      %dma_start3A_139 = tpu.memref_slice %arg6[%multiple_of3A_72] : memref<8192xi32, #tpu.memory_space<hbm>> -> memref<128xi32, #tpu.memory_space<hbm>>
      %dma_start3A_140 = tpu.memref_slice %arg6[%multiple_of3A_72] : memref<8192xi32, #tpu.memory_space<hbm>> -> memref<128xi32, #tpu.memory_space<hbm>>
      tpu.enqueue_dma source(%dma_start3A_140 : memref<128xi32, #tpu.memory_space<hbm>>) target(%arg8 : memref<128xi32, #tpu.memory_space<vmem>>) target_semaphore(%run_scoped3A : memref<!tpu.dma_semaphore, #tpu.memory_space<semaphore_mem>>)
      %dma_wait3A_141 = tpu.memref_slice %arg6[%multiple_of3A_72] : memref<8192xi32, #tpu.memory_space<hbm>> -> memref<128xi32, #tpu.memory_space<hbm>>
      %dma_wait3A_142 = tpu.memref_slice %arg6[%multiple_of3A_72] : memref<8192xi32, #tpu.memory_space<hbm>> -> memref<128xi32, #tpu.memory_space<hbm>>
      tpu.wait_dma2 semaphore(%run_scoped3A : memref<!tpu.dma_semaphore, #tpu.memory_space<semaphore_mem>>) src(%dma_wait3A_142 : memref<128xi32, #tpu.memory_space<hbm>>) dst(%arg8 : memref<128xi32, #tpu.memory_space<vmem>>)
      tpu.yield
    }) : () -> ()
    %dma_start3A_73 = arith.constant 0 : i32
    %dma_start3A_74 = arith.constant 0 : i32
    %dma_start3A_75 = tpu.memref_slice %arg23[%dma_start3A_73, %dma_start3A_74] : memref<10016x128xf32, #tpu.memory_space<vmem_shared>> -> memref<10016x128xf32, #tpu.memory_space<vmem_shared>>
    tpu.enqueue_indirect_dma source(%dma_start3A_75 : memref<10016x128xf32, #tpu.memory_space<vmem_shared>>) target(%arg12 : memref<128x128xf32, #tpu.memory_space<vmem>>) offsets(%arg8 : memref<128xi32, #tpu.memory_space<vmem>>) semaphore(%arg27 : memref<!tpu.dma_semaphore, #tpu.memory_space<semaphore_mem>>)
    %add3A_76 = arith.constant 128 : i32
    %add3A_77 = arith.addi %mul3A_42, %add3A_76 : i32
    %multiple_of3A_78 = tpu.assume_multiple %add3A_77, 8 : i32
    %dma_start3A_79 = arith.constant 0 : i32
    %dma_start3A_80 = tpu.memref_slice %arg7[%arg0, %multiple_of3A_78, %dma_start3A_79] : memref<2x8192x128xf32, #tpu.memory_space<hbm>> -> memref<1x128x128xf32, #tpu.memory_space<hbm>>
    %dma_start3A_81 = tpu.memref_squeeze %dma_start3A_80 : memref<1x128x128xf32, #tpu.memory_space<hbm>> -> memref<128x128xf32, #tpu.memory_space<hbm>>
    %dma_start3A_82 = arith.constant 0 : i32
    %dma_start3A_83 = tpu.memref_slice %arg7[%arg0, %multiple_of3A_78, %dma_start3A_82] : memref<2x8192x128xf32, #tpu.memory_space<hbm>> -> memref<1x128x128xf32, #tpu.memory_space<hbm>>
    %dma_start3A_84 = tpu.memref_squeeze %dma_start3A_83 : memref<1x128x128xf32, #tpu.memory_space<hbm>> -> memref<128x128xf32, #tpu.memory_space<hbm>>
    tpu.enqueue_dma source(%arg17 : memref<128x128xf32, #tpu.memory_space<vmem>>) target(%dma_start3A_84 : memref<128x128xf32, #tpu.memory_space<hbm>>) target_semaphore(%arg31 : memref<!tpu.dma_semaphore, #tpu.memory_space<semaphore_mem>>)
    %dma_wait3A_85 = arith.constant 0 : i32
    %dma_wait3A_86 = tpu.memref_slice %arg7[%arg0, %multiple_of3A_60, %dma_wait3A_85] : memref<2x8192x128xf32, #tpu.memory_space<hbm>> -> memref<1x128x128xf32, #tpu.memory_space<hbm>>
    %dma_wait3A_87 = tpu.memref_squeeze %dma_wait3A_86 : memref<1x128x128xf32, #tpu.memory_space<hbm>> -> memref<128x128xf32, #tpu.memory_space<hbm>>
    %dma_wait3A_88 = arith.constant 0 : i32
    %dma_wait3A_89 = tpu.memref_slice %arg7[%arg0, %multiple_of3A_60, %dma_wait3A_88] : memref<2x8192x128xf32, #tpu.memory_space<hbm>> -> memref<1x128x128xf32, #tpu.memory_space<hbm>>
    %dma_wait3A_90 = tpu.memref_squeeze %dma_wait3A_89 : memref<1x128x128xf32, #tpu.memory_space<hbm>> -> memref<128x128xf32, #tpu.memory_space<hbm>>
    tpu.wait_dma2 semaphore(%arg30 : memref<!tpu.dma_semaphore, #tpu.memory_space<semaphore_mem>>) src(%arg12 : memref<128x128xf32, #tpu.memory_space<vmem>>) dst(%dma_wait3A_90 : memref<128x128xf32, #tpu.memory_space<hbm>>)
    %dma_wait3A_91 = arith.constant 0 : i32
    %dma_wait3A_92 = arith.constant 0 : i32
    %dma_wait3A_93 = tpu.memref_slice %arg23[%dma_wait3A_91, %dma_wait3A_92] : memref<10016x128xf32, #tpu.memory_space<vmem_shared>> -> memref<10016x128xf32, #tpu.memory_space<vmem_shared>>
    tpu.wait_indirect_dma semaphore(%arg27 : memref<!tpu.dma_semaphore, #tpu.memory_space<semaphore_mem>>) src(%dma_wait3A_93 : memref<10016x128xf32, #tpu.memory_space<vmem_shared>>) dst(%arg12 : memref<128x128xf32, #tpu.memory_space<vmem>>)
    %add3A_94 = arith.constant 384 : i32
    %add3A_95 = arith.addi %mul3A_42, %add3A_94 : i32
    %multiple_of3A_96 = tpu.assume_multiple %add3A_95, 8 : i32
    "tpu.region"() ({
      %run_scoped3A = tpu.sem_alloc : memref<!tpu.dma_semaphore, #tpu.memory_space<semaphore_mem>>
      %dma_start3A_139 = tpu.memref_slice %arg6[%multiple_of3A_96] : memref<8192xi32, #tpu.memory_space<hbm>> -> memref<128xi32, #tpu.memory_space<hbm>>
      %dma_start3A_140 = tpu.memref_slice %arg6[%multiple_of3A_96] : memref<8192xi32, #tpu.memory_space<hbm>> -> memref<128xi32, #tpu.memory_space<hbm>>
      tpu.enqueue_dma source(%dma_start3A_140 : memref<128xi32, #tpu.memory_space<hbm>>) target(%arg13 : memref<128xi32, #tpu.memory_space<vmem>>) target_semaphore(%run_scoped3A : memref<!tpu.dma_semaphore, #tpu.memory_space<semaphore_mem>>)
      %dma_wait3A_141 = tpu.memref_slice %arg6[%multiple_of3A_96] : memref<8192xi32, #tpu.memory_space<hbm>> -> memref<128xi32, #tpu.memory_space<hbm>>
      %dma_wait3A_142 = tpu.memref_slice %arg6[%multiple_of3A_96] : memref<8192xi32, #tpu.memory_space<hbm>> -> memref<128xi32, #tpu.memory_space<hbm>>
      tpu.wait_dma2 semaphore(%run_scoped3A : memref<!tpu.dma_semaphore, #tpu.memory_space<semaphore_mem>>) src(%dma_wait3A_142 : memref<128xi32, #tpu.memory_space<hbm>>) dst(%arg13 : memref<128xi32, #tpu.memory_space<vmem>>)
      tpu.yield
    }) : () -> ()
    %dma_start3A_97 = arith.constant 0 : i32
    %dma_start3A_98 = arith.constant 0 : i32
    %dma_start3A_99 = tpu.memref_slice %arg23[%dma_start3A_97, %dma_start3A_98] : memref<10016x128xf32, #tpu.memory_space<vmem_shared>> -> memref<10016x128xf32, #tpu.memory_space<vmem_shared>>
    tpu.enqueue_indirect_dma source(%dma_start3A_99 : memref<10016x128xf32, #tpu.memory_space<vmem_shared>>) target(%arg17 : memref<128x128xf32, #tpu.memory_space<vmem>>) offsets(%arg13 : memref<128xi32, #tpu.memory_space<vmem>>) semaphore(%arg28 : memref<!tpu.dma_semaphore, #tpu.memory_space<semaphore_mem>>)
    %add3A_100 = arith.constant 256 : i32
    %add3A_101 = arith.addi %mul3A_42, %add3A_100 : i32
    %multiple_of3A_102 = tpu.assume_multiple %add3A_101, 8 : i32
    %dma_start3A_103 = arith.constant 0 : i32
    %dma_start3A_104 = tpu.memref_slice %arg7[%arg0, %multiple_of3A_102, %dma_start3A_103] : memref<2x8192x128xf32, #tpu.memory_space<hbm>> -> memref<1x128x128xf32, #tpu.memory_space<hbm>>
    %dma_start3A_105 = tpu.memref_squeeze %dma_start3A_104 : memref<1x128x128xf32, #tpu.memory_space<hbm>> -> memref<128x128xf32, #tpu.memory_space<hbm>>
    %dma_start3A_106 = arith.constant 0 : i32
    %dma_start3A_107 = tpu.memref_slice %arg7[%arg0, %multiple_of3A_102, %dma_start3A_106] : memref<2x8192x128xf32, #tpu.memory_space<hbm>> -> memref<1x128x128xf32, #tpu.memory_space<hbm>>
    %dma_start3A_108 = tpu.memref_squeeze %dma_start3A_107 : memref<1x128x128xf32, #tpu.memory_space<hbm>> -> memref<128x128xf32, #tpu.memory_space<hbm>>
    tpu.enqueue_dma source(%arg12 : memref<128x128xf32, #tpu.memory_space<vmem>>) target(%dma_start3A_108 : memref<128x128xf32, #tpu.memory_space<hbm>>) target_semaphore(%arg30 : memref<!tpu.dma_semaphore, #tpu.memory_space<semaphore_mem>>)
    %dma_wait3A_109 = arith.constant 0 : i32
    %dma_wait3A_110 = tpu.memref_slice %arg7[%arg0, %multiple_of3A_78, %dma_wait3A_109] : memref<2x8192x128xf32, #tpu.memory_space<hbm>> -> memref<1x128x128xf32, #tpu.memory_space<hbm>>
    %dma_wait3A_111 = tpu.memref_squeeze %dma_wait3A_110 : memref<1x128x128xf32, #tpu.memory_space<hbm>> -> memref<128x128xf32, #tpu.memory_space<hbm>>
    %dma_wait3A_112 = arith.constant 0 : i32
    %dma_wait3A_113 = tpu.memref_slice %arg7[%arg0, %multiple_of3A_78, %dma_wait3A_112] : memref<2x8192x128xf32, #tpu.memory_space<hbm>> -> memref<1x128x128xf32, #tpu.memory_space<hbm>>
    %dma_wait3A_114 = tpu.memref_squeeze %dma_wait3A_113 : memref<1x128x128xf32, #tpu.memory_space<hbm>> -> memref<128x128xf32, #tpu.memory_space<hbm>>
    tpu.wait_dma2 semaphore(%arg31 : memref<!tpu.dma_semaphore, #tpu.memory_space<semaphore_mem>>) src(%arg17 : memref<128x128xf32, #tpu.memory_space<vmem>>) dst(%dma_wait3A_114 : memref<128x128xf32, #tpu.memory_space<hbm>>)
    %dma_wait3A_115 = arith.constant 0 : i32
    %dma_wait3A_116 = arith.constant 0 : i32
    %dma_wait3A_117 = tpu.memref_slice %arg23[%dma_wait3A_115, %dma_wait3A_116] : memref<10016x128xf32, #tpu.memory_space<vmem_shared>> -> memref<10016x128xf32, #tpu.memory_space<vmem_shared>>
    tpu.wait_indirect_dma semaphore(%arg28 : memref<!tpu.dma_semaphore, #tpu.memory_space<semaphore_mem>>) src(%dma_wait3A_117 : memref<10016x128xf32, #tpu.memory_space<vmem_shared>>) dst(%arg17 : memref<128x128xf32, #tpu.memory_space<vmem>>)
    %add3A_118 = arith.constant 384 : i32
    %add3A_119 = arith.addi %mul3A_42, %add3A_118 : i32
    %multiple_of3A_120 = tpu.assume_multiple %add3A_119, 8 : i32
    %dma_start3A_121 = arith.constant 0 : i32
    %dma_start3A_122 = tpu.memref_slice %arg7[%arg0, %multiple_of3A_120, %dma_start3A_121] : memref<2x8192x128xf32, #tpu.memory_space<hbm>> -> memref<1x128x128xf32, #tpu.memory_space<hbm>>
    %dma_start3A_123 = tpu.memref_squeeze %dma_start3A_122 : memref<1x128x128xf32, #tpu.memory_space<hbm>> -> memref<128x128xf32, #tpu.memory_space<hbm>>
    %dma_start3A_124 = arith.constant 0 : i32
    %dma_start3A_125 = tpu.memref_slice %arg7[%arg0, %multiple_of3A_120, %dma_start3A_124] : memref<2x8192x128xf32, #tpu.memory_space<hbm>> -> memref<1x128x128xf32, #tpu.memory_space<hbm>>
    %dma_start3A_126 = tpu.memref_squeeze %dma_start3A_125 : memref<1x128x128xf32, #tpu.memory_space<hbm>> -> memref<128x128xf32, #tpu.memory_space<hbm>>
    tpu.enqueue_dma source(%arg17 : memref<128x128xf32, #tpu.memory_space<vmem>>) target(%dma_start3A_126 : memref<128x128xf32, #tpu.memory_space<hbm>>) target_semaphore(%arg31 : memref<!tpu.dma_semaphore, #tpu.memory_space<semaphore_mem>>)
    %dma_wait3A_127 = arith.constant 0 : i32
    %dma_wait3A_128 = tpu.memref_slice %arg7[%arg0, %multiple_of3A_102, %dma_wait3A_127] : memref<2x8192x128xf32, #tpu.memory_space<hbm>> -> memref<1x128x128xf32, #tpu.memory_space<hbm>>
    %dma_wait3A_129 = tpu.memref_squeeze %dma_wait3A_128 : memref<1x128x128xf32, #tpu.memory_space<hbm>> -> memref<128x128xf32, #tpu.memory_space<hbm>>
    %dma_wait3A_130 = arith.constant 0 : i32
    %dma_wait3A_131 = tpu.memref_slice %arg7[%arg0, %multiple_of3A_102, %dma_wait3A_130] : memref<2x8192x128xf32, #tpu.memory_space<hbm>> -> memref<1x128x128xf32, #tpu.memory_space<hbm>>
    %dma_wait3A_132 = tpu.memref_squeeze %dma_wait3A_131 : memref<1x128x128xf32, #tpu.memory_space<hbm>> -> memref<128x128xf32, #tpu.memory_space<hbm>>
    tpu.wait_dma2 semaphore(%arg30 : memref<!tpu.dma_semaphore, #tpu.memory_space<semaphore_mem>>) src(%arg12 : memref<128x128xf32, #tpu.memory_space<vmem>>) dst(%dma_wait3A_132 : memref<128x128xf32, #tpu.memory_space<hbm>>)
    %dma_wait3A_133 = arith.constant 0 : i32
    %dma_wait3A_134 = tpu.memref_slice %arg7[%arg0, %multiple_of3A_120, %dma_wait3A_133] : memref<2x8192x128xf32, #tpu.memory_space<hbm>> -> memref<1x128x128xf32, #tpu.memory_space<hbm>>
    %dma_wait3A_135 = tpu.memref_squeeze %dma_wait3A_134 : memref<1x128x128xf32, #tpu.memory_space<hbm>> -> memref<128x128xf32, #tpu.memory_space<hbm>>
    %dma_wait3A_136 = arith.constant 0 : i32
    %dma_wait3A_137 = tpu.memref_slice %arg7[%arg0, %multiple_of3A_120, %dma_wait3A_136] : memref<2x8192x128xf32, #tpu.memory_space<hbm>> -> memref<1x128x128xf32, #tpu.memory_space<hbm>>
    %dma_wait3A_138 = tpu.memref_squeeze %dma_wait3A_137 : memref<1x128x128xf32, #tpu.memory_space<hbm>> -> memref<128x128xf32, #tpu.memory_space<hbm>>
    tpu.wait_dma2 semaphore(%arg31 : memref<!tpu.dma_semaphore, #tpu.memory_space<semaphore_mem>>) src(%arg17 : memref<128x128xf32, #tpu.memory_space<vmem>>) dst(%dma_wait3A_138 : memref<128x128xf32, #tpu.memory_space<hbm>>)
    return
  }
}

module attributes {stable_mosaic.version = 14 : i64} {
  func.func @_mm_body(%arg0: i32, %arg1: i32, %arg2: memref<512x256xf32, #tpu.memory_space<vmem>>, %arg3: memref<256x128xf32, #tpu.memory_space<vmem>>, %arg4: memref<256x128xf32, #tpu.memory_space<vmem>>, %arg5: memref<512x128xf32, #tpu.memory_space<vmem>>, %arg6: memref<512x128xf32, #tpu.memory_space<vmem>>) attributes {dimension_semantics = [#tpu.dimension_semantics<arbitrary>, #tpu.dimension_semantics<arbitrary>], iteration_bounds = array<i64: 2, 20>, scalar_prefetch = 0 : i64, scratch_operands = 0 : i64, tpu.core_type = #tpu.core_type<tc>, window_params = [{transform_indices = @transform_0, window_bounds = array<i64: 512, 256>}, {transform_indices = @transform_1, window_bounds = array<i64: 256, 128>}, {transform_indices = @transform_2, window_bounds = array<i64: 256, 128>}, {transform_indices = @transform_3, window_bounds = array<i64: 512, 128>}, {transform_indices = @transform_4, window_bounds = array<i64: 512, 128>}]} {
    %get3A = arith.constant 0 : index
    %get3A_0 = arith.constant 0 : index
    %get3A_1 = vector.load %arg2[%get3A, %get3A_0] : memref<512x256xf32, #tpu.memory_space<vmem>>, vector<512x256xf32>
    %get3A_2 = arith.constant 0 : index
    %get3A_3 = arith.constant 0 : index
    %get3A_4 = vector.load %arg3[%get3A_2, %get3A_3] : memref<256x128xf32, #tpu.memory_space<vmem>>, vector<256x128xf32>
    %dot_general3A = arith.constant dense<0.000000e+00> : vector<512x128xf32>
    %dot_general3A_5 = tpu.matmul %get3A_1, %get3A_4, %dot_general3A {dimension_numbers = #tpu.dot_dimension_numbers<[1], [0], [0], [1], [0, 0, 1, 1], [], []>, transpose_lhs_hint = false} : vector<512x256xf32>, vector<256x128xf32>, vector<512x128xf32> -> vector<512x128xf32>
    %swap3A = arith.constant 0 : index
    %swap3A_6 = arith.constant 0 : index
    %swap3A_7 = vector.load %arg5[%swap3A, %swap3A_6] : memref<512x128xf32, #tpu.memory_space<vmem>>, vector<512x128xf32>
    tpu.vector_store %arg5[%swap3A, %swap3A_6], %dot_general3A_5 {strides = array<i32>} : memref<512x128xf32, #tpu.memory_space<vmem>>, vector<512x128xf32>,
    %get3A_8 = arith.constant 0 : index
    %get3A_9 = arith.constant 0 : index
    %get3A_10 = vector.load %arg4[%get3A_8, %get3A_9] : memref<256x128xf32, #tpu.memory_space<vmem>>, vector<256x128xf32>
    %dot_general3A_11 = arith.constant dense<0.000000e+00> : vector<512x128xf32>
    %dot_general3A_12 = tpu.matmul %get3A_1, %get3A_10, %dot_general3A_11 {dimension_numbers = #tpu.dot_dimension_numbers<[1], [0], [0], [1], [0, 0, 1, 1], [], []>, transpose_lhs_hint = false} : vector<512x256xf32>, vector<256x128xf32>, vector<512x128xf32> -> vector<512x128xf32>
    %swap3A_13 = arith.constant 0 : index
    %swap3A_14 = arith.constant 0 : index
    %swap3A_15 = vector.load %arg6[%swap3A_13, %swap3A_14] : memref<512x128xf32, #tpu.memory_space<vmem>>, vector<512x128xf32>
    tpu.vector_store %arg6[%swap3A_13, %swap3A_14], %dot_general3A_12 {strides = array<i32>} : memref<512x128xf32, #tpu.memory_space<vmem>>, vector<512x128xf32>,
    return
  }
  func.func @transform_0(%arg0: i32, %arg1: i32) -> (i32, i32) {
    %c0_i32 = arith.constant 0 : i32
    %c0_i32_0 = arith.constant 0 : i32
    return %arg1, %c0_i32 : i32, i32
  }
  func.func @transform_1(%arg0: i32, %arg1: i32) -> (i32, i32) {
    %c0_i32 = arith.constant 0 : i32
    %c0_i32_0 = arith.constant 0 : i32
    return %c0_i32, %arg0 : i32, i32
  }
  func.func @transform_2(%arg0: i32, %arg1: i32) -> (i32, i32) {
    %c0_i32 = arith.constant 0 : i32
    %c0_i32_0 = arith.constant 0 : i32
    return %c0_i32, %arg0 : i32, i32
  }
  func.func @transform_3(%arg0: i32, %arg1: i32) -> (i32, i32) {
    %mul3A = arith.constant 20 : i32
    %mul3A_0 = arith.muli %arg0, %mul3A : i32
    %add3A = arith.addi %mul3A_0, %arg1 : i32
    %c0_i32 = arith.constant 0 : i32
    %c0_i32_1 = arith.constant 0 : i32
    return %add3A, %c0_i32 : i32, i32
  }
  func.func @transform_4(%arg0: i32, %arg1: i32) -> (i32, i32) {
    %mul3A = arith.constant 20 : i32
    %mul3A_0 = arith.muli %arg0, %mul3A : i32
    %add3A = arith.addi %mul3A_0, %arg1 : i32
    %c0_i32 = arith.constant 0 : i32
    %c0_i32_1 = arith.constant 0 : i32
    return %add3A, %c0_i32 : i32, i32
  }
}

module attributes {stable_mosaic.version = 14 : i64} {
  func.func @_tc_body(%arg0: i32, %arg1: memref<2x512x128xf32, #tpu.memory_space<vmem>>, %arg2: memref<256x64xf32, #tpu.memory_space<vmem>>, %arg3: memref<1024x64xf32, #tpu.memory_space<vmem>>, %arg4: memref<64x256xf32, #tpu.memory_space<vmem>>, %arg5: memref<512x256xf32, #tpu.memory_space<vmem>>, %arg6: memref<1x1x512xi32, #tpu.memory_space<vmem>>, %arg7: memref<1x1xf32, #tpu.memory_space<vmem>>) attributes {dimension_semantics = [#tpu.dimension_semantics<arbitrary>], iteration_bounds = array<i64: 16>, scalar_prefetch = 0 : i64, scratch_operands = 0 : i64, tpu.core_type = #tpu.core_type<tc>, window_params = [{transform_indices = @transform_0, window_bounds = array<i64: 2, 512, 128>}, {pipeline_mode = #tpu.pipeline_mode<synchronous>, transform_indices = @transform_1, window_bounds = array<i64: 256, 64>}, {pipeline_mode = #tpu.pipeline_mode<synchronous>, transform_indices = @transform_2, window_bounds = array<i64: 1024, 64>}, {pipeline_mode = #tpu.pipeline_mode<synchronous>, transform_indices = @transform_3, window_bounds = array<i64: 64, 256>}, {transform_indices = @transform_4, window_bounds = array<i64: 512, 256>}, {transform_indices = @transform_5, window_bounds = array<i64: 1, 1, 512>}, {pipeline_mode = #tpu.pipeline_mode<synchronous>, transform_indices = @transform_6, window_bounds = array<i64: 1, 1>}]} {
    %get3A = arith.constant 0 : index
    %get3A_0 = arith.constant 0 : index
    %get3A_1 = arith.constant 0 : index
    %get3A_2 = vector.load %arg1[%get3A, %get3A_0, %get3A_1] : memref<2x512x128xf32, #tpu.memory_space<vmem>>, vector<1x512x128xf32>
    %get3A_3 = vector.shape_cast %get3A_2 : vector<1x512x128xf32> to vector<512x128xf32>
    %get3A_4 = arith.constant 1 : index
    %get3A_5 = arith.constant 0 : index
    %get3A_6 = arith.constant 0 : index
    %get3A_7 = vector.load %arg1[%get3A_4, %get3A_5, %get3A_6] : memref<2x512x128xf32, #tpu.memory_space<vmem>>, vector<1x512x128xf32>
    %get3A_8 = vector.shape_cast %get3A_7 : vector<1x512x128xf32> to vector<512x128xf32>
    %concatenate3A = tpu.concatenate %get3A_3, %get3A_8 in 1 : vector<512x128xf32>, vector<512x128xf32> -> vector<512x256xf32>
    %max3A = arith.constant 0.000000e+00 : f32
    %max3A_9 = vector.broadcast %max3A : f32 to vector<512x256xf32>
    %max3A_10 = arith.maximumf %concatenate3A, %max3A_9 : vector<512x256xf32>
    %get3A_11 = arith.constant 0 : index
    %get3A_12 = arith.constant 0 : index
    %get3A_13 = vector.load %arg2[%get3A_11, %get3A_12] : memref<256x64xf32, #tpu.memory_space<vmem>>, vector<256x64xf32>
    %dot_general3A = arith.constant dense<0.000000e+00> : vector<512x64xf32>
    %dot_general3A_14 = tpu.matmul %max3A_10, %get3A_13, %dot_general3A {dimension_numbers = #tpu.dot_dimension_numbers<[1], [0], [0], [1], [0, 0, 1, 1], [], []>, transpose_lhs_hint = false} : vector<512x256xf32>, vector<256x64xf32>, vector<512x64xf32> -> vector<512x64xf32>
    %get3A_15 = arith.constant 0 : index
    %get3A_16 = arith.constant 0 : index
    %get3A_17 = vector.load %arg3[%get3A_15, %get3A_16] : memref<1024x64xf32, #tpu.memory_space<vmem>>, vector<1024x64xf32>
    %mul3A = arith.mulf %dot_general3A_14, %dot_general3A_14 : vector<512x64xf32>
    %reduce_sum3A = arith.constant dense<0.000000e+00> : vector<512xf32>
    %reduce_sum3A_18 = vector.multi_reduction <add>, %mul3A, %reduce_sum3A [1] : vector<512x64xf32> to vector<512xf32>
    %broadcast_in_dim3A = vector.shape_cast %reduce_sum3A_18 : vector<512xf32> to vector<512x1xf32>
    %mul3A_19 = arith.mulf %get3A_17, %get3A_17 : vector<1024x64xf32>
    %reduce_sum3A_20 = arith.constant dense<0.000000e+00> : vector<1024xf32>
    %reduce_sum3A_21 = vector.multi_reduction <add>, %mul3A_19, %reduce_sum3A_20 [1] : vector<1024x64xf32> to vector<1024xf32>
    %dot_general3A_22 = arith.constant dense<0.000000e+00> : vector<512x1024xf32>
    %dot_general3A_23 = tpu.matmul %dot_general3A_14, %get3A_17, %dot_general3A_22 {dimension_numbers = #tpu.dot_dimension_numbers<[1], [1], [0], [0], [0, 0, 1, 0], [], []>, transpose_lhs_hint = false} : vector<512x64xf32>, vector<1024x64xf32>, vector<512x1024xf32> -> vector<512x1024xf32>
    %mul3A_24 = arith.constant 2.000000e+00 : f32
    %mul3A_25 = vector.broadcast %mul3A_24 : f32 to vector<512x1024xf32>
    %mul3A_26 = arith.mulf %mul3A_25, %dot_general3A_23 : vector<512x1024xf32>
    %sub3A = vector.broadcast %broadcast_in_dim3A : vector<512x1xf32> to vector<512x1024xf32>
    %sub3A_27 = arith.subf %sub3A, %mul3A_26 : vector<512x1024xf32>
    %broadcast_in_dim3A_28 = vector.shape_cast %reduce_sum3A_21 : vector<1024xf32> to vector<1x1024xf32>
    %add3A = vector.broadcast %broadcast_in_dim3A_28 : vector<1x1024xf32> to vector<512x1024xf32>
    %add3A_29 = arith.addf %sub3A_27, %add3A : vector<512x1024xf32>
    %reduce_min3A = arith.constant dense<0x7F800000> : vector<512xf32>
    %reduce_min3A_30 = vector.multi_reduction <minimumf>, %add3A_29, %reduce_min3A [1] : vector<512x1024xf32> to vector<512xf32>
    %broadcast_in_dim3A_31 = vector.shape_cast %reduce_min3A_30 : vector<512xf32> to vector<512x1xf32>
    %iota3A = tpu.iota {dimensions = array<i32: 1>} : vector<512x1024xi32>
    %le3A = vector.broadcast %broadcast_in_dim3A_31 : vector<512x1xf32> to vector<512x1024xf32>
    %le3A_32 = arith.cmpf ole, %add3A_29, %le3A : vector<512x1024xf32>
    %jit3A = arith.constant 1024 : i32
    %broadcast_in_dim3A_33 = vector.broadcast %jit3A : i32 to vector<512x1024xi32>
    %select_n3A = arith.select %le3A_32, %iota3A, %broadcast_in_dim3A_33 : vector<512x1024xi1>, vector<512x1024xi32>
    %reduce_min3A_34 = arith.constant dense<2147483647> : vector<512xi32>
    %reduce_min3A_35 = vector.multi_reduction <minsi>, %select_n3A, %reduce_min3A_34 [1] : vector<512x1024xi32> to vector<512xi32>
    %broadcast_in_dim3A_36 = vector.shape_cast %reduce_min3A_35 : vector<512xi32> to vector<512x1xi32>
    %eq3A = vector.broadcast %broadcast_in_dim3A_36 : vector<512x1xi32> to vector<512x1024xi32>
    %eq3A_37 = arith.cmpi eq, %iota3A, %eq3A : vector<512x1024xi32>
    %convert_element_type3A = arith.extui %eq3A_37 : vector<512x1024xi1> to vector<512x1024xi32>
    %convert_element_type3A_38 = arith.sitofp %convert_element_type3A : vector<512x1024xi32> to vector<512x1024xf32>
    %convert_element_type3A_39 = arith.truncf %get3A_17 : vector<1024x64xf32> to vector<1024x64xbf16>
    %convert_element_type3A_40 = arith.extf %convert_element_type3A_39 : vector<1024x64xbf16> to vector<1024x64xf32>
    %sub3A_41 = arith.subf %get3A_17, %convert_element_type3A_40 : vector<1024x64xf32>
    %convert_element_type3A_42 = arith.truncf %sub3A_41 : vector<1024x64xf32> to vector<1024x64xbf16>
    %convert_element_type3A_43 = arith.extf %convert_element_type3A_42 : vector<1024x64xbf16> to vector<1024x64xf32>
    %dot_general3A_44 = arith.constant dense<0.000000e+00> : vector<512x64xf32>
    %dot_general3A_45 = tpu.matmul %convert_element_type3A_38, %convert_element_type3A_40, %dot_general3A_44 {dimension_numbers = #tpu.dot_dimension_numbers<[1], [0], [0], [1], [0, 0, 1, 1], [], []>, transpose_lhs_hint = false} : vector<512x1024xf32>, vector<1024x64xf32>, vector<512x64xf32> -> vector<512x64xf32>
    %dot_general3A_46 = arith.constant dense<0.000000e+00> : vector<512x64xf32>
    %dot_general3A_47 = tpu.matmul %convert_element_type3A_38, %convert_element_type3A_43, %dot_general3A_46 {dimension_numbers = #tpu.dot_dimension_numbers<[1], [0], [0], [1], [0, 0, 1, 1], [], []>, transpose_lhs_hint = false} : vector<512x1024xf32>, vector<1024x64xf32>, vector<512x64xf32> -> vector<512x64xf32>
    %add3A_48 = arith.addf %dot_general3A_45, %dot_general3A_47 : vector<512x64xf32>
    %sub3A_49 = arith.subf %sub3A_41, %convert_element_type3A_43 : vector<1024x64xf32>
    %dot_general3A_50 = arith.constant dense<0.000000e+00> : vector<512x64xf32>
    %dot_general3A_51 = tpu.matmul %convert_element_type3A_38, %sub3A_49, %dot_general3A_50 {dimension_numbers = #tpu.dot_dimension_numbers<[1], [0], [0], [1], [0, 0, 1, 1], [], []>, transpose_lhs_hint = false} : vector<512x1024xf32>, vector<1024x64xf32>, vector<512x64xf32> -> vector<512x64xf32>
    %add3A_52 = arith.addf %add3A_48, %dot_general3A_51 : vector<512x64xf32>
    %sub3A_53 = arith.subf %add3A_52, %dot_general3A_14 : vector<512x64xf32>
    %add3A_54 = arith.addf %dot_general3A_14, %sub3A_53 : vector<512x64xf32>
    %get3A_55 = arith.constant 0 : index
    %get3A_56 = arith.constant 0 : index
    %get3A_57 = vector.load %arg4[%get3A_55, %get3A_56] : memref<64x256xf32, #tpu.memory_space<vmem>>, vector<64x256xf32>
    %dot_general3A_58 = arith.constant dense<0.000000e+00> : vector<512x256xf32>
    %dot_general3A_59 = tpu.matmul %add3A_54, %get3A_57, %dot_general3A_58 {dimension_numbers = #tpu.dot_dimension_numbers<[1], [0], [0], [1], [0, 0, 1, 1], [], []>, transpose_lhs_hint = false} : vector<512x64xf32>, vector<64x256xf32>, vector<512x256xf32> -> vector<512x256xf32>
    %swap3A = arith.constant 0 : index
    %swap3A_60 = arith.constant 0 : index
    %swap3A_61 = vector.load %arg5[%swap3A, %swap3A_60] : memref<512x256xf32, #tpu.memory_space<vmem>>, vector<512x256xf32>
    tpu.vector_store %arg5[%swap3A, %swap3A_60], %dot_general3A_59 {strides = array<i32>} : memref<512x256xf32, #tpu.memory_space<vmem>>, vector<512x256xf32>,
    %swap3A_62 = arith.constant 0 : index
    %swap3A_63 = arith.constant 0 : index
    %swap3A_64 = arith.constant 0 : index
    %swap3A_65 = vector.load %arg6[%swap3A_62, %swap3A_63, %swap3A_64] : memref<1x1x512xi32, #tpu.memory_space<vmem>>, vector<1x1x512xi32>
    %swap3A_66 = vector.shape_cast %swap3A_65 : vector<1x1x512xi32> to vector<512xi32>
    %swap3A_67 = vector.shape_cast %reduce_min3A_35 : vector<512xi32> to vector<1x1x512xi32>
    tpu.vector_store %arg6[%swap3A_62, %swap3A_63, %swap3A_64], %swap3A_67 {strides = array<i32>} : memref<1x1x512xi32, #tpu.memory_space<vmem>>, vector<1x1x512xi32>,
    %sub3A_68 = arith.subf %add3A_52, %dot_general3A_14 : vector<512x64xf32>
    %sub3A_69 = arith.subf %add3A_52, %dot_general3A_14 : vector<512x64xf32>
    %mul3A_70 = arith.mulf %sub3A_68, %sub3A_69 : vector<512x64xf32>
    %reduce_sum3A_71 = vector.shape_cast %mul3A_70 : vector<512x64xf32> to vector<1x512x64xf32>
    %reduce_sum3A_72 = arith.constant dense<0.000000e+00> : vector<1xf32>
    %reduce_sum3A_73 = vector.multi_reduction <add>, %reduce_sum3A_71, %reduce_sum3A_72 [1, 2] : vector<1x512x64xf32> to vector<1xf32>
    %reduce_sum3A_74 = vector.shape_cast %reduce_sum3A_73 : vector<1xf32> to vector<1x1x1xf32>
    %reduce_sum3A_75 = vector.extract %reduce_sum3A_74[0, 0, 0] : f32 from vector<1x1x1xf32>
    %mul3A_76 = arith.constant 2.38418579E-6 : f32
    %mul3A_77 = arith.mulf %reduce_sum3A_75, %mul3A_76 : f32
    %reshape3A = vector.broadcast %mul3A_77 : f32 to vector<1x1xf32>
    %eq3A_78 = arith.constant 0 : i32
    %eq3A_79 = arith.cmpi eq, %arg0, %eq3A_78 : i32
    %convert_element_type3A_80 = arith.extui %eq3A_79 : i1 to i32
    %cond3A = arith.constant 0 : i32
    %cond3A_81 = arith.cmpi ne, %convert_element_type3A_80, %cond3A : i32
    scf.if %cond3A_81 {
      %swap3A_86 = arith.constant 0 : index
      %swap3A_87 = arith.constant 0 : index
      %swap3A_88 = vector.load %arg7[%swap3A_86, %swap3A_87] : memref<1x1xf32, #tpu.memory_space<vmem>>, vector<1x1xf32>
      tpu.vector_store %arg7[%swap3A_86, %swap3A_87], %reshape3A {strides = array<i32>} : memref<1x1xf32, #tpu.memory_space<vmem>>, vector<1x1xf32>,
    } else {
    }
    %gt3A = arith.constant 0 : i32
    %gt3A_82 = arith.cmpi sgt, %arg0, %gt3A : i32
    %convert_element_type3A_83 = arith.extui %gt3A_82 : i1 to i32
    %cond3A_84 = arith.constant 0 : i32
    %cond3A_85 = arith.cmpi ne, %convert_element_type3A_83, %cond3A_84 : i32
    scf.if %cond3A_85 {
      %get3A_86 = arith.constant 0 : index
      %get3A_87 = arith.constant 0 : index
      %get3A_88 = vector.load %arg7[%get3A_86, %get3A_87] : memref<1x1xf32, #tpu.memory_space<vmem>>, vector<1x1xf32>
      %add3A_89 = arith.addf %get3A_88, %reshape3A : vector<1x1xf32>
      %swap3A_90 = arith.constant 0 : index
      %swap3A_91 = arith.constant 0 : index
      %swap3A_92 = vector.load %arg7[%swap3A_90, %swap3A_91] : memref<1x1xf32, #tpu.memory_space<vmem>>, vector<1x1xf32>
      tpu.vector_store %arg7[%swap3A_90, %swap3A_91], %add3A_89 {strides = array<i32>} : memref<1x1xf32, #tpu.memory_space<vmem>>, vector<1x1xf32>,
    } else {
    }
    return
  }
  func.func @transform_0(%arg0: i32) -> (i32, i32, i32) {
    %c0_i32 = arith.constant 0 : i32
    %c0_i32_0 = arith.constant 0 : i32
    %c0_i32_1 = arith.constant 0 : i32
    return %c0_i32, %arg0, %c0_i32_0 : i32, i32, i32
  }
  func.func @transform_1(%arg0: i32) -> (i32, i32) {
    %c0_i32 = arith.constant 0 : i32
    %c0_i32_0 = arith.constant 0 : i32
    %c0_i32_1 = arith.constant 0 : i32
    return %c0_i32, %c0_i32_0 : i32, i32
  }
  func.func @transform_2(%arg0: i32) -> (i32, i32) {
    %c0_i32 = arith.constant 0 : i32
    %c0_i32_0 = arith.constant 0 : i32
    %c0_i32_1 = arith.constant 0 : i32
    return %c0_i32, %c0_i32_0 : i32, i32
  }
  func.func @transform_3(%arg0: i32) -> (i32, i32) {
    %c0_i32 = arith.constant 0 : i32
    %c0_i32_0 = arith.constant 0 : i32
    %c0_i32_1 = arith.constant 0 : i32
    return %c0_i32, %c0_i32_0 : i32, i32
  }
  func.func @transform_4(%arg0: i32) -> (i32, i32) {
    %c0_i32 = arith.constant 0 : i32
    %c0_i32_0 = arith.constant 0 : i32
    return %arg0, %c0_i32 : i32, i32
  }
  func.func @transform_5(%arg0: i32) -> (i32, i32, i32) {
    %c0_i32 = arith.constant 0 : i32
    %c0_i32_0 = arith.constant 0 : i32
    %c0_i32_1 = arith.constant 0 : i32
    return %arg0, %c0_i32, %c0_i32_0 : i32, i32, i32
  }
  func.func @transform_6(%arg0: i32) -> (i32, i32) {
    %c0_i32 = arith.constant 0 : i32
    %c0_i32_0 = arith.constant 0 : i32
    %c0_i32_1 = arith.constant 0 : i32
    return %c0_i32, %c0_i32_0 : i32, i32
  }
}

</mosaic_0001>

<sc_bundles>
// kernel: kernel.5.cloned.1.call-start
scs
__scs_entry_jumppad:
0x0: {  	(pc) =	sbr.rel $0x88, $3  }
0x1: {  	(tag) =	ssettag $0x0;
	lr =	simm.s32 $0x1  }
0x2: {  	[smem:$0x3F99] =	sst lr;
	_ =	strace $0xD0000000  }
0x3: {  	_ = 	snop  }
0x4: {  	_ = 	snop  }
0x5: {  	_ = 	snop  }
0x6: {  	_ = 	snop  }
0x7: {  	_ = 	snop  }
__scs_overlays_trampoline_lowered:
0x8: {  	[smem:$0x3FA8] =	sst s0  }
0x9: {  	[smem:$0x3FA9] =	sst s1  }
0xa: {  	[smem:$0x3FAA] =	sst s2  }
0xb: {  	[smem:$0x3FAB] =	sst s3  }
0xc: {  	[smem:$0x3FAC] =	sst s4  }
0xd: {  	[smem:$0x3FAD] =	sst s5  }
0xe: {  	[smem:$0x3FAE] =	sst s6  }
0xf: {  	[smem:$0x3FAF] =	sst s7  }
0x10: {  	[smem:$0x3FB0] =	sst s8  }
0x11: {  	[smem:$0x3FB1] =	sst s9;
	s0 =	simm.s32 @!p0 $0x0  }
0x12: {  	s1 =	sld [smem:$0x3F97];
	s0 =	simm.s32 @p0 $0x1  }
0x13: {  	[smem:$0x3FB2] =	sst s0;
	s0 =	simm.s32 @!p1 $0x0  }
0x14: {  	s2 =	sld [smem:$0x3F96];
	s0 =	simm.s32 @p1 $0x1  }
0x15: {  	[smem:$0x3FB3] =	sst s0;
	s0 =	simm.s32 @!p2 $0x0  }
0x16: {  	s3 =	sld [smem:$0x3FDB];
	s0 =	simm.s32 @p2 $0x1  }
0x17: {  	s4 =	simm.s32 $0x1BF5;
	[smem:$0x3FB5] =	sst s0  }
0x18: {  	s0 =	sld [smem:$0x3F98];
	_ =	swait.ge [sflag:s4], $0x0  }
0x19: {  	s7 =	sld [smem:$0x3F99]  }
0x1a: {  	s8 =	sadd.s32 $0xFFFFE003, lr  }
0x1b: {  	s9 =	sadd.s32 $0xFFFFFEF7, lr;
	s5 =	simm.s32 $0xFFFFFFFF;
	p2 =	slt.u32 s8, $0xFFFFF086  }
0x1c: {  	p1 =	slt.u32 s9, $0xF7A;
	s5 =	simm.s32 @!p2 $0x0  }
0x1d: {  	s5 =	simm.s32 @p1 $0x1;
	p0 =	seq.s32 s7, s2  }
0x1e: {  	s7 =	smul.u32 @!p0 $0xF7A, s2;
	p2 =	seq.s32 @!p0 s5, $0x0  }
0x1f: {  	s9 =	smul.u32 $0xF7A, s1;
	s8 =	simm.s32 @!p0 $0x1BF5;
	p2 =	por !p2, p0  }
0x20: {  	[sflag:s8] =	ssyncset.s32 @!p0 $0xFFFFF086;
	s6 =	sadd.s32 @!p0 s3, s7;
	s7 =	simm.s32 @!p0 $0x108  }
0x21: {  	s3 =	sadd.s32 s3, s9;
	s6 =	sadd.s32 @!p0 $0x88, s6;
	s7 =	simm.s32 @p2 $0x1082  }
0x22: {  	[simem:s7], [sflag:s8] =	dma.local @!p0 [hbm:s6], $0xF7A  }
0x23: {  	s9 =	sor.u32 $0xD0000000, s2;
	s6 =	simm.s32 $0x108;
	_ =	swait.ge @!p0 [sflag:s8], $0x0  }
0x24: {  	s3 =	sadd.s32 $0x88, s3;
	s6 =	simm.s32 @!p1 $0x1082;
	[sflag:s4] =	ssyncset.s32 $0xFFFFF086  }
0x25: {  	[simem:s6], [sflag:s4] =	dma.local [hbm:s3], $0xF7A  }
0x26: {  	[smem:$0x3F99] =	sst s1;
	(tag) =	ssettag s2;
	_ =	strace s9  }
0x27: {  	s1 =	sld [smem:$0x3FA9]  }
0x28: {  	s2 =	sld [smem:$0x3FAA]  }
0x29: {  	s4 =	sld [smem:$0x3FAC]  }
0x2a: {  	p0 =	seq.s32 s5, $0x0;
	s5 =	sld [smem:$0x3FAD]  }
0x2b: {  	s6 =	sld [smem:$0x3FAE]  }
0x2c: {  	s7 =	sld [smem:$0x3FAF]  }
0x2d: {  	s3 =	simm.s32 $0x108;
	s8 =	sld [smem:$0x3FB0]  }
0x2e: {  	s3 =	simm.s32 @!p0 $0x1082;
	s9 =	sld [smem:$0x3FB1]  }
0x2f: {  	lr =	sadd.s32 s0, s3;
	s0 =	sld [smem:$0x3FA8]  }
0x30: {  	s3 =	sld [smem:$0x3FAB]  }
0x31: {  	[smem:$0x3FB4] =	sst s10  }
0x32: {  	s10 =	sld [smem:$0x3FB2];
	_ =	sdelay $0x3  }
0x33: {  	p0 =	seq.s32 s10, $0x1;
	s10 =	sld [smem:$0x3FB4];
	_ =	sdelay $0x3  }
0x34: {  	[smem:$0x3FB4] =	sst s10  }
0x35: {  	s10 =	sld [smem:$0x3FB3];
	_ =	sdelay $0x3  }
0x36: {  	p1 =	seq.s32 s10, $0x1;
	s10 =	sld [smem:$0x3FB4];
	_ =	sdelay $0x3  }
0x37: {  	[smem:$0x3FB4] =	sst s10  }
0x38: {  	s10 =	sld [smem:$0x3FB5]  }
0x39: {  	_ = 	snop;
	(pc) =	sbr.ind lr, $3  }
0x3a: {  	_ = 	snop  }
0x3b: {  	_ = 	snop  }
0x3c: {  	p2 =	seq.s32 s10, $0x1;
	s10 =	sld [smem:$0x3FB4]  }
0x3d: {  	_ =	shalt  }
0x3e: {  	_ =	shalt  }
0x3f: {  	_ =	shalt  }
0x40: {  	_ =	shalt  }
0x41: {  	_ =	shalt  }
0x42: {  	_ =	shalt  }
0x43: {  	_ =	shalt  }
0x44: {  	_ =	shalt  }
0x45: {  	_ =	shalt  }
0x46: {  	_ =	shalt  }
0x47: {  	_ =	shalt  }
0x48: {  	_ =	shalt  }
0x49: {  	_ =	shalt  }
0x4a: {  	_ =	shalt  }
0x4b: {  	_ =	shalt  }
0x4c: {  	_ =	shalt  }
0x4d: {  	_ =	shalt  }
0x4e: {  	_ =	shalt  }
0x4f: {  	_ =	shalt  }
0x50: {  	_ =	shalt  }
0x51: {  	_ =	shalt  }
0x52: {  	_ =	shalt  }
0x53: {  	_ =	shalt  }
0x54: {  	_ =	shalt  }
0x55: {  	_ =	shalt  }
0x56: {  	_ =	shalt  }
0x57: {  	_ =	shalt  }
0x58: {  	_ =	shalt  }
0x59: {  	_ =	shalt  }
0x5a: {  	_ =	shalt  }
0x5b: {  	_ =	shalt  }
0x5c: {  	_ =	shalt  }
0x5d: {  	_ =	shalt  }
0x5e: {  	_ =	shalt  }
0x5f: {  	_ =	shalt  }
0x60: {  	_ =	shalt  }
0x61: {  	_ =	shalt  }
0x62: {  	_ =	shalt  }
0x63: {  	_ =	shalt  }
0x64: {  	_ =	shalt  }
0x65: {  	_ =	shalt  }
0x66: {  	_ =	shalt  }
0x67: {  	_ =	shalt  }
0x68: {  	_ =	shalt  }
0x69: {  	_ =	shalt  }
0x6a: {  	_ =	shalt  }
0x6b: {  	_ =	shalt  }
0x6c: {  	_ =	shalt  }
0x6d: {  	_ =	shalt  }
0x6e: {  	_ =	shalt  }
0x6f: {  	_ =	shalt  }
0x70: {  	_ =	shalt  }
0x71: {  	_ =	shalt  }
0x72: {  	_ =	shalt  }
0x73: {  	_ =	shalt  }
0x74: {  	_ =	shalt  }
0x75: {  	_ =	shalt  }
0x76: {  	_ =	shalt  }
0x77: {  	_ =	shalt  }
0x78: {  	_ =	shalt  }
0x79: {  	_ =	shalt  }
0x7a: {  	_ =	shalt  }
0x7b: {  	_ =	shalt  }
0x7c: {  	_ =	shalt  }
0x7d: {  	_ =	shalt  }
0x7e: {  	_ =	shalt  }
0x7f: {  	_ =	shalt  }
0x80: {  	_ =	shalt  }
0x81: {  	_ =	shalt  }
0x82: {  	_ =	shalt  }
0x83: {  	_ =	shalt  }
0x84: {  	_ =	shalt  }
0x85: {  	_ =	shalt  }
0x86: {  	_ =	shalt  }
0x87: {  	_ =	shalt  }
.Lfunc_end0:
.L_simem_size_0:
called_computation_lowered:
.L_overlay_start_0:
0x88: {  	s2 =	sld [smem:$0x3FD9]  }
0x89: {  	s3 =	sld [smem:$0x3FFE];
	_ =	sdelay $0x1  }
0x8a: {  	s1 =	srdreg.scid  }
0x8b: {  	s0 =	sand.u32 $0x1, s1  }
0x8c: {  	s14 =	sshll.u32 s0, $0xA;
	s2 =	sadd.s32 s3, s2  }
0x8d: {  	s2 =	sadd.s32 s2, s14  }
0x8e: {  	[smem:$0x3FC0] =	sst s2  }
0x8f: {  	_ = 	snop  }
0x90: {  	s2 =	sld [smem:$0x3FD0];
	_ =	sdelay $0x2  }
0x91: {  	s15 =	simm.s32 $0xA;
	s4 =	simm.s32 $0x10  }
0x92: {  	[smem:s4], [sflag:s15] =	dma.local [hbm:s2], $0x1  }
0x93: {  	_ =	swait.eq [sflag:s15], $0x1  }
0x94: {  	[sflag:s15] =	ssyncset.done $0x0  }
0x95: {  	s16 =	sld [smem:$0x10];
	[sflag:s15] =	ssyncadd.s32 $0xFFFFFFFF  }
0x96: {  	s17 =	sld [smem:$0x11];
	(tm) =	ssettm $0x1  }
0x97: {  	s18 =	sld [smem:$0x3FFB];
	_ =	sdelay $0x3  }
0x98: {  	_ =	strace s18  }
0x99: {  	s4 =	sld [smem:$0x3FFC];
	_ =	sdelay $0x3  }
0x9a: {  	_ =	strace s4  }
0x9b: {  	s4 =	sld [smem:$0x3FFD];
	_ =	sdelay $0x3  }
0x9c: {  	_ =	strace s4  }
0x9d: {  	_ =	strace $0x8FFFFFFF  }
0x9e: {  	s19 =	sld [smem:$0x3FDB];
	_ =	sdelay $0x1  }
0x9f: {  	s5 =	simm.s32 $_scs_section_size  }
0xa0: {  	s6 =	simm.s32 $_size__tile_overlayer_lowered;
	s7 =	simm.s32 $_tile_overlayer_lowered  }
0xa1: {  	s22 =	simm.s32 $0x1BFF;
	s21 =	sshll.u32 s7, $0x1;
	s4 =	sadd.s32 s5, s19  }
0xa2: {  	s8 =	simm.s32 $0x0;
	s20 =	sshll.u32 s6, $0x1;
	s6 =	sadd.s32 s21, s4  }
0xa3: {  	[timem:s8], [sflag:s22] =	dma.local [hbm:s6], s20  }
0xa4: {  	_ =	swait.ge [sflag:s22], s20  }
0xa5: {  	s5 =	ssub.s32 $0x0, s20;
	[sflag:s22] =	ssyncset.done $0x0  }
0xa6: {  	[sflag:s22] =	ssyncadd.s32 s5;
	_ =	sdelay $0x1  }
0xa7: {  	s23 =	simm.s32 $0x1B8B  }
0xa8: {  	_ =	swait.ge [sflag:s23], $0x1  }
0xa9: {  	[sflag:s23] =	ssyncset.done $0x0  }
0xaa: {  	s25 =	simm.s32 $0x1B8E;
	s24 =	sld [smem:$0x3FFE];
	[sflag:s23] =	ssyncadd.s32 $0xFFFFFFFF  }
0xab: {  	s26 =	simm.s32 $execute0_lowered;
	[smem:$0x3FD2] =	sst s25  }
0xac: {  	s6 =	sshll.u32 s26, $0x1;
	_ =	strace $0x80000046;
	[dreg:$0x1] =	wrdreg $0xFFFFFFFF  }
0xad: {  	s28 =	simm.s32 $_size_execute0_lowered;
	s4 =	sadd.s32 s4, s6;
	[dreg:$0x0] =	wrdreg $0x0  }
0xae: {  	s6 =	sshll.u32 s28, $0x1;
	[dreg:$0x2] =	wrdreg s4  }
0xaf: {  	[dreg:$0x3] =	wrdreg s6  }
0xb0: {  	[dreg:$0x4] =	wrdreg $0xC0  }
0xb1: {  	_ =	task [dreg:s8], $0x5FFFF  }
0xb2: {  	[dreg:$0x1] =	wrdreg $0xFFFFFFFF  }
0xb3: {  	[dreg:$0x0] =	wrdreg $0x60  }
0xb4: {  	[dreg:$0x2] =	wrdreg s24  }
0xb5: {  	[dreg:$0x3] =	wrdreg s17  }
0xb6: {  	[dreg:$0x4] =	wrdreg s16  }
0xb7: {  	[dreg:$0x5] =	wrdreg $0xC6000  }
0xb8: {  	[dreg:$0x6] =	wrdreg $0x9  }
0xb9: {  	_ =	task.clear_ibuf [dreg:s8], $0x7FFFF;
	_ =	strace $0x90000046  }
0xba: {  	s29 =	simm.s32 $0x9;
	_ =	strace $0x80000048  }
0xbb: {  	_ =	swait.ge [sflag:s29], $0x1  }
0xbc: {  	[sflag:s29] =	ssyncadd.s32 $0xFFFFFFFF  }
0xbd: {  	_ =	strace $0x90000048  }
0xbe: {  	_ =	sfence  }
0xbf: {  	s30 =	sld [smem:$0x0];
	_ =	sdelay $0x2  }
0xc0: {  	s31 =	sshll.u32 s1, $0xD;
	s1 =	sshrl.u32 s1, $0x2  }
0xc1: {  	s3 =	sand.u32 $0x4000, s31;
	s1 =	sadd.s32 s1, s30  }
0xc2: {  	s0 =	sor.u32 s3, s0;
	s1 =	sshll.u32 s1, $0x11  }
0xc3: {  	s0 =	sor.u32 s1, s0  }
0xc4: {  	s0 =	sadd.s32 $0x8F2B, s0  }
0xc5: {  	[sflag:s0] =	ssyncadd.remote.s32 $0x1  }
0xc6: {  	_ =	sfence.sel $0xFFFF  }
0xc7: {  	[dreg:$0x0] =	wrdreg $0xFFFFFFFF;
	(pc) =	sbr.abs _section_cstart, $3  }
0xc8: {  	[dreg:$0x1] =	wrdreg $0xFFFFFFFF  }
0xc9: {  	_ =	task.clear_ibuf [dreg:s8], $0x2FFFF;
	_ =	strace $0x9FFFFFFF  }
0xca: {  	(tm) =	ssettm $0x7FFFFFFF  }
0xcb: {  	_ =	shalt  }
tec
execute0_lowered:
.L_overlay_start_1:
0x0: {  	(tag) =	ssettag $0x1  }
0x1: {  	s0 =	rddreg [dreg:$0x0]  }
0x2: {  	s1 =	rddreg [dreg:$0x1]  }
0x3: {  	s3 =	rddreg [dreg:$0x2]  }
0x4: {  	s4 =	srdreg.scid;
	s2 =	rddreg [dreg:$0x3]  }
0x5: {  	s22 =	stileid.u32;
	s30 =	simm.s32 $0x8400;
	s31 =	simm.s32 $0x8480  }
0x6: {  	s29 =	simm.s32 $0x180;
	s4 =	sand.u32 $0x1, s4;
	s6 =	smul.u32 $0x278, s22  }
0x7: {  	s5 =	sadd.s32 $0x5B800, s0;
	s7 =	sadd.s32 $0x56600, s0;
	s15 =	smul.u32 $0x2880, s22  }
0x8: {  	s8 =	sadd.s32 $0x1400, s0;
	s12 =	smul.u32 $0x4F000, s22;
	s18 =	sshll.u32 s22, $0x9  }
0x9: {  	s14 =	sshll.u32 s22, $0x6;
	p0 =	seq.s32 s22, $0xF;
	s16 =	smul.u32 $0x2800, s4  }
0xa: {  	s9 =	ssub.s32 $0x2, s4;
	s11 =	smul.u32 $0x140000, s4;
	s21 =	sor.u32 $0x80, s18  }
0xb: {  	s14 =	sadd.s32 s1, s14;
	s24 =	sor.u32 $0x100, s18;
	s4 =	sshll.u32 s4, $0x14  }
0xc: {  	s10 =	sshrl.u32 s9, $0x1;
	[dreg:$0x8] =	wrdreg s14;
	s25 =	sshrl.u32 s24, $0x3  }
0xd: {  	s14 =	simm.s32 $0x8;
	s6 =	sadd.s32 s6, s16;
	s9 =	ssub.s32 s9, s10  }
0xe: {  	s17 =	sshrl.u32 s11, $0x3;
	s10 =	sor.u32 $0x180, s18;
	s11 =	sshll.u32 s21, $0x7  }
0xf: {  	s18 =	sshll.u32 s24, $0x7;
	v0 =	vmov s16;
	s16 =	simm.s32 $0xA;
	s6 =	sshll.u32 s6, $0x4  }
0x10: {  	s26 =	sshrl.u32 s10, $0x3;
	s10 =	sshll.u32 s10, $0x7;
	s6 =	sadd.s32 s5, s6  }
0x11: {  	s5 =	sadd.s32 s5, s17;
	[dreg:$0x5] =	wrdreg s6;
	s6 =	sshrl.u32 s15, $0x3  }
0x12: {  	s17 =	sshll.u32 s22, $0x10;
	s15 =	sshrl.u32 s21, $0x3;
	s19 =	sadd.s32 s7, s6  }
0x13: {  	s20 =	sadd.s32 s8, s6;
	s13 =	sadd.s32 $0x10, s6;
	[dreg:$0x6] =	wrdreg s19  }
0x14: {  	s23 =	sadd.s32 s1, s15;
	s15 =	sadd.s32 s1, s25;
	[dreg:$0x7] =	wrdreg s20  }
0x15: {  	s1 =	sadd.s32 s1, s26;
	s6 =	sadd.s32 $0x20, s6;
	[dreg:$0x9] =	wrdreg s23  }
0x16: {  	s25 =	sshrl.u32 s12, $0x2;
	s26 =	sadd.s32 $0x25080, s5;
	[dreg:$0xa] =	wrdreg s15  }
0x17: {  	s5 =	simm.s32 $0x4400;
	s12 =	simm.s32 $0x8500;
	[dreg:$0xb] =	wrdreg s1  }
0x18: {  	s28 =	sadd.s32 s7, s13;
	s15 =	sor.u32 s17, s4;
	s13 =	sadd.s32 s8, s13  }
0x19: {  	s17 =	sor.u32 s4, s11;
	s19 =	sor.u32 s4, s18;
	s4 =	sor.u32 s4, s10  }
0x1a: {  	s20 =	smul.u32 $0x510, s22;
	s23 =	sadd.s32 s7, s6;
	s24 =	sadd.s32 s8, s6  }
0x1b: {  	s6 =	simm.s32 $0x3;
	s10 =	simm.s32 $0x4300;
	[dreg:$0xc] =	wrdreg s28  }
0x1c: {  	s11 =	simm.s32 $0x6;
	s22 =	simm.s32 $0x0;
	[dreg:$0xd] =	wrdreg s13  }
0x1d: {  	s1 =	sshrl.u32 s15, $0x3;
	s4 =	sshrl.u32 s4, $0x3;
	[dreg:$0x12] =	wrdreg s23  }
0x1e: {  	[dreg:$0x13] =	wrdreg s24;
	s28 =	smax.u32 s9, $0x1;
	s9 =	simm.s32 $0x4  }
0x1f: {  	s1 =	sadd.s32 s3, s1;
	s21 =	sadd.s32 s3, s4;
	s18 =	sadd.s32 s20, s8  }
0x20: {  	s20 =	sadd.s32 s20, s7;
	s4 =	simm.s32 $0x4380;
	s7 =	simm.s32 $0x8580  }
0x21: {  	s8 =	simm.s32 $0x8600;
	[dreg:$0xe] =	wrdreg s1;
	s1 =	sshrl.u32 s17, $0x3  }
0x22: {  	[dreg:$0x11] =	wrdreg s21;
	s21 =	sadd.s32 $0x6600, s0;
	s1 =	sadd.s32 s3, s1  }
0x23: {  	[dreg:$0xf] =	wrdreg s1;
	s1 =	sshrl.u32 s19, $0x3;
	s19 =	simm.s32 $0x0  }
0x24: {  	s0 =	sadd.s32 s25, s2;
	s1 =	sadd.s32 s3, s1;
	[smem:$0x7FF] =	sst s19  }
.Ltmp0:
0x25: {  	s17 =	simm.s32 $0x4200;
	[dreg:$0x10] =	wrdreg s1;
	(pc) =	sbr.rel .LBB2_1-.Ltmp0, $4  }
0x26: {  	s0 =	sshrl.u32 @!p0 s0, $0x3;
	_ =	strace $0x80000047;
	[dreg:$0x14] =	wrdreg s26  }
0x27: {  	s3 =	simm.s32 $0x2;
	s1 =	sadd.s32 $0x128400, s2;
	[dreg:$0x15] =	wrdreg s28  }
0x28: {  	s1 =	sshrl.u32 @p0 s1, $0x3;
	[dreg:$0x17] =	wrdreg s0;
	s26 =	simm.s32 $0x80  }
0x29: {  	s0 =	simm.s32 $0x1;
	[dreg:$0x16] =	wrdreg s1;
	s1 =	simm.s32 $0x200  }
.LBB2_3:
0x2a: {  	[spmem:s2] =	stream.indirect.scatter.add.f32 [tilespmem:s8], [sflag:$0x9], $0x80, s12, s26, $0xb8;
	[tilespmem:$0x1FF00] =	vst v63  }
.LBB2_5:
0x2b: {  	s15 =	simm.s32 $0x7  }
0x2c: {  	_ =	swait.ge [sflag:s15], $0x4000  }
0x2d: {  	[sflag:s15] =	ssyncset.done $0x0  }
0x2e: {  	[sflag:s15] =	ssyncadd.s32 $0xFFFFC000  }
0x2f: {  	_ =	swait.ge [sflag:s14], $0x4000  }
0x30: {  	[sflag:s14] =	ssyncset.done $0x0  }
0x31: {  	s13 =	simm.s32 $0x9;
	[sflag:s14] =	ssyncadd.s32 $0xFFFFC000  }
0x32: {  	_ =	swait.ge [sflag:s13], $0x4000  }
0x33: {  	[sflag:s13] =	ssyncset.done $0x0  }
0x34: {  	[sflag:s13] =	ssyncadd.s32 $0xFFFFC000  }
0x35: {  	[bflag:$0x0] =	sbarrier.arrive $0xFFFF  }
0x36: {  	s25 =	rddreg [dreg:$0x8]  }
0x37: {  	[tilespmem:s19], [sflag:$0xA] =	stream.linear.gather [hbm4b:s25+s19], $0x80, $0x38;
	[tilespmem:$0x1FF00] =	vst v63  }
0x38: {  	_ =	swait.ge [sflag:s16], $0x80  }
0x39: {  	[sflag:s16] =	ssyncset.done $0x0  }
0x3a: {  	[sflag:s16] =	ssyncadd.s32 $0xFFFFFF80  }
0x3b: {  	[tilespmem:s1], [sflag:$0x4] =	stream.indirect.gather [spmem:s2], $0x80, s19, s26, $0xb8;
	[tilespmem:$0x1FF00] =	vst v63  }
0x3c: {  	_ =	swait.ge [sflag:s9], $0x4000  }
0x3d: {  	[sflag:s9] =	ssyncset.done $0x0  }
0x3e: {  	s17 =	simm.s32 $0x4200;
	s28 =	rddreg [dreg:$0x9];
	[sflag:s9] =	ssyncadd.s32 $0xFFFFC000  }
0x3f: {  	[tilespmem:s17], [sflag:$0xA] =	stream.linear.gather [hbm4b:s28+s19], $0x80, $0x38;
	[tilespmem:$0x1FF00] =	vst v63  }
0x40: {  	_ =	swait.ge [sflag:s16], $0x80  }
0x41: {  	[sflag:s16] =	ssyncset.done $0x0  }
0x42: {  	[sflag:s16] =	ssyncadd.s32 $0xFFFFFF80  }
0x43: {  	[tilespmem:s5], [sflag:$0x5] =	stream.indirect.gather [spmem:s2], $0x80, s17, s26, $0xb8;
	[tilespmem:$0x1FF00] =	vst v63  }
0x44: {  	s23 =	rddreg [dreg:$0xe]  }
0x45: {  	[hbm4b:s23+s19] =	stream.linear.scatter [tilespmem:s1], [sflag:$0x7], $0x4000, $0x38;
	[tilespmem:$0x1FF00] =	vst v63  }
0x46: {  	s23 =	simm.s32 $0x5  }
0x47: {  	_ =	swait.ge [sflag:s23], $0x4000  }
0x48: {  	[sflag:s23] =	ssyncset.done $0x0  }
0x49: {  	s24 =	rddreg [dreg:$0xa];
	[sflag:s23] =	ssyncadd.s32 $0xFFFFC000  }
0x4a: {  	[tilespmem:s19], [sflag:$0xA] =	stream.linear.gather [hbm4b:s24+s19], $0x80, $0x38;
	[tilespmem:$0x1FF00] =	vst v63  }
0x4b: {  	_ =	swait.ge [sflag:s16], $0x80  }
0x4c: {  	[sflag:s16] =	ssyncset.done $0x0  }
0x4d: {  	[sflag:s16] =	ssyncadd.s32 $0xFFFFFF80  }
0x4e: {  	[tilespmem:s1], [sflag:$0x4] =	stream.indirect.gather [spmem:s2], $0x80, s19, s26, $0xb8;
	[tilespmem:$0x1FF00] =	vst v63  }
0x4f: {  	s25 =	rddreg [dreg:$0xf]  }
0x50: {  	[hbm4b:s25+s19] =	stream.linear.scatter [tilespmem:s5], [sflag:$0x8], $0x4000, $0x38;
	[tilespmem:$0x1FF00] =	vst v63  }
0x51: {  	_ =	swait.ge [sflag:s15], $0x4000  }
0x52: {  	[sflag:s15] =	ssyncset.done $0x0  }
0x53: {  	[sflag:s15] =	ssyncadd.s32 $0xFFFFC000  }
0x54: {  	_ =	swait.ge [sflag:s9], $0x4000  }
0x55: {  	[sflag:s9] =	ssyncset.done $0x0  }
0x56: {  	s28 =	rddreg [dreg:$0xb];
	[sflag:s9] =	ssyncadd.s32 $0xFFFFC000  }
0x57: {  	[tilespmem:s17], [sflag:$0xA] =	stream.linear.gather [hbm4b:s28+s19], $0x80, $0x38;
	[tilespmem:$0x1FF00] =	vst v63  }
0x58: {  	_ =	swait.ge [sflag:s16], $0x80  }
0x59: {  	[sflag:s16] =	ssyncset.done $0x0  }
0x5a: {  	[sflag:s16] =	ssyncadd.s32 $0xFFFFFF80  }
0x5b: {  	[tilespmem:s5], [sflag:$0x5] =	stream.indirect.gather [spmem:s2], $0x80, s17, s26, $0xb8;
	[tilespmem:$0x1FF00] =	vst v63  }
0x5c: {  	s24 =	rddreg [dreg:$0x10]  }
0x5d: {  	[hbm4b:s24+s19] =	stream.linear.scatter [tilespmem:s1], [sflag:$0x7], $0x4000, $0x38;
	[tilespmem:$0x1FF00] =	vst v63  }
0x5e: {  	_ =	swait.ge [sflag:s14], $0x4000  }
0x5f: {  	[sflag:s14] =	ssyncset.done $0x0  }
0x60: {  	[sflag:s14] =	ssyncadd.s32 $0xFFFFC000  }
0x61: {  	_ =	swait.ge [sflag:s23], $0x4000  }
0x62: {  	[sflag:s23] =	ssyncset.done $0x0  }
0x63: {  	s25 =	rddreg [dreg:$0x11];
	[sflag:s23] =	ssyncadd.s32 $0xFFFFC000  }
0x64: {  	[hbm4b:s25+s19] =	stream.linear.scatter [tilespmem:s5], [sflag:$0x8], $0x4000, $0x38;
	[tilespmem:$0x1FF00] =	vst v63  }
0x65: {  	_ =	swait.ge [sflag:s15], $0x4000  }
0x66: {  	[sflag:s15] =	ssyncset.done $0x0  }
0x67: {  	[sflag:s15] =	ssyncadd.s32 $0xFFFFC000  }
0x68: {  	_ =	swait.ge [sflag:s14], $0x4000  }
0x69: {  	s22 =	sadd.s32 $0x1, s22;
	s28 =	rddreg [dreg:$0x15]  }
0x6a: {  	p1 =	sne.s32 s22, s28  }
.Ltmp1:
0x6b: {  	_ = 	snop;
	(pc) =	sbr.rel @!p1 .LBB2_6-.Ltmp1, $3  }
0x6c: {  	_ =	sdelay $0x1  }
0x6d: {  	[sflag:s14] =	ssyncset.done $0x0  }
0x6e: {  	[sflag:s14] =	ssyncadd.s32 $0xFFFFC000  }
.LBB2_1:
0x6f: {  	s13 =	rddreg [dreg:$0x14]  }
0x70: {  	s23 =	simm.s32 @p0 $0x1FCA;
	s15 =	rddreg [dreg:$0x16]  }
0x71: {  	[spmem:s15], [sflag:s23] =	dma.local @p0 [hbm:s13], $0x2180  }
0x72: {  	s23 =	simm.s32 @p0 $0xA  }
0x73: {  	s13 =	stileid.u32;
	_ =	swait.ge @p0 [sflag:s23], $0x2180  }
0x74: {  	s24 =	sshll.u32 @!p0 s13, $0x6;
	[sflag:s23] =	ssyncset.done @p0 $0x0;
	s13 =	rddreg [dreg:$0x5]  }
0x75: {  	s15 =	rddreg [dreg:$0x17];
	[sflag:s23] =	ssyncadd.s32 @p0 $0xFFFFDE80;
	s23 =	sor.u32 @!p0 $0x1C0A, s24  }
0x76: {  	[spmem:s15], [sflag:s23] =	dma.local @!p0 [hbm:s13], $0x2780  }
0x77: {  	s23 =	simm.s32 @!p0 $0xA  }
0x78: {  	_ =	swait.ge @!p0 [sflag:s23], $0x2780  }
0x79: {  	[sflag:s23] =	ssyncset.done @!p0 $0x0  }
0x7a: {  	[sflag:s23] =	ssyncadd.s32 @!p0 $0xFFFFD880  }
0x7b: {  	[bflag:$0x0] =	sbarrier.arrive $0xFFFF  }
0x7c: {  	s25 =	rddreg [dreg:$0x6]  }
0x7d: {  	[tilespmem:s19], [sflag:$0x1] =	stream.linear.gather [hbm4b:s25+s19], $0x80, $0x38;
	[tilespmem:$0x1FF00] =	vst v63  }
0x7e: {  	s28 =	rddreg [dreg:$0x7]  }
0x7f: {  	[tilespmem:s26], [sflag:$0x1] =	stream.linear.gather [hbm4b:s28+s19], $0x80, $0x38;
	[tilespmem:$0x1FF00] =	vst v63  }
0x80: {  	s15 =	rddreg [dreg:$0xc]  }
0x81: {  	[tilespmem:s17], [sflag:$0x2] =	stream.linear.gather [hbm4b:s15+s19], $0x80, $0x38;
	[tilespmem:$0x1FF00] =	vst v63  }
0x82: {  	s24 =	simm.s32 $0x4280;
	s23 =	rddreg [dreg:$0xd]  }
0x83: {  	[tilespmem:s24], [sflag:$0x2] =	stream.linear.gather [hbm4b:s23+s19], $0x80, $0x38;
	[tilespmem:$0x1FF00] =	vst v63  }
0x84: {  	s25 =	rddreg [dreg:$0x12]  }
0x85: {  	[tilespmem:s30], [sflag:$0x3] =	stream.linear.gather [hbm4b:s25+s19], $0x80, $0x38;
	[tilespmem:$0x1FF00] =	vst v63  }
0x86: {  	s28 =	rddreg [dreg:$0x13];
	s23 =	simm.s32 $0x0  }
0x87: {  	[tilespmem:s31], [sflag:$0x3] =	stream.linear.gather [hbm4b:s28+s19], $0x80, $0x38;
	[tilespmem:$0x1FF00] =	vst v63  }
.LBB2_2:
0x88: {  	_ =	swait.ge [sflag:s0], $0x80  }
0x89: {  	[sflag:s0] =	ssyncset.done $0x0  }
0x8a: {  	[sflag:s0] =	ssyncadd.s32 $0xFFFFFF80  }
0x8b: {  	_ =	swait.ge [sflag:s0], $0x80  }
0x8c: {  	p1 =	seq.s32 s23, $0x0;
	[sflag:s0] =	ssyncset.done $0x0  }
0x8d: {  	s24 =	simm.s32 @!p1 $0x7;
	[sflag:s0] =	ssyncadd.s32 $0xFFFFFF80  }
0x8e: {  	_ =	swait.ge @!p1 [sflag:s24], $0x4000  }
0x8f: {  	[sflag:s24] =	ssyncset.done @!p1 $0x0  }
0x90: {  	[sflag:s24] =	ssyncadd.s32 @!p1 $0xFFFFC000  }
0x91: {  	v1 =	vld [tilespmem:$0x0]  }
0x92: {  	v2 =	vld [tilespmem:$0x80]  }
0x93: {  	v3 =	vld [tilespmem:$0x10]  }
0x94: {  	v4 =	vld [tilespmem:$0x90];
	_ =	sdelay $0x1  }
0x95: {  	v6 =	vld [tilespmem:$0xA0]  }
0x96: {  	v44 =	vld [tilespmem:$0xC0]  }
0x97: {  	v46 =	vld [tilespmem:$0xD0];
	[tilespmem:$0x100] =	vst v2  }
0x98: {  	v1 =	vadd.s32 v0, v1;
	v2 =	vadd.s32 v0, v3;
	v3 =	vld [tilespmem:$0xB0];
	[tilespmem:$0x110] =	vst v4  }
0x99: {  	[tilespmem:$0x180] =	vst v1;
	v1 =	vld [tilespmem:$0x30]  }
0x9a: {  	[tilespmem:$0x190] =	vst v2;
	v2 =	vld [tilespmem:$0x40]  }
0x9b: {  	v5 =	vld [tilespmem:$0x20];
	[tilespmem:$0x120] =	vst v6  }
0x9c: {  	v47 =	vld [tilespmem:$0xF0];
	[tilespmem:$0x140] =	vst v44  }
0x9d: {  	v45 =	vld [tilespmem:$0x50];
	[tilespmem:$0x150] =	vst v46  }
0x9e: {  	[tilespmem:$0x130] =	vst v3;
	v3 =	vld [tilespmem:$0xE0];
	v1 =	vadd.s32 v0, v1  }
0x9f: {  	v2 =	vadd.s32 v0, v2;
	[tilespmem:$0x1B0] =	vst v1;
	v1 =	vld [tilespmem:$0x60]  }
0xa0: {  	[tilespmem:$0x1C0] =	vst v2;
	v2 =	vld [tilespmem:$0x70]  }
0xa1: {  	v43 =	vadd.s32 v0, v5;
	[tilespmem:$0x170] =	vst v47  }
0xa2: {  	v4 =	vadd.s32 v0, v45;
	[tilespmem:$0x1A0] =	vst v43  }
0xa3: {  	[tilespmem:$0x1D0] =	vst v4  }
0xa4: {  	[tilespmem:$0x160] =	vst v3;
	v1 =	vadd.s32 v0, v1  }
0xa5: {  	[tilespmem:$0x1E0] =	vst v1;
	v1 =	vadd.s32 v0, v2  }
0xa6: {  	[tilespmem:$0x1F0] =	vst v1  }
0xa7: {  	[tilespmem:s1], [sflag:$0x4] =	stream.indirect.gather [hbm4b:s21+s26], $0x80, s29, s26, $0xb8;
	[tilespmem:$0x1FF00] =	vst v63  }
0xa8: {  	_ =	swait.ge [sflag:s3], $0x80  }
0xa9: {  	[sflag:s3] =	ssyncset.done $0x0  }
0xaa: {  	[sflag:s3] =	ssyncadd.s32 $0xFFFFFF80  }
0xab: {  	_ =	swait.ge [sflag:s3], $0x80  }
0xac: {  	[sflag:s3] =	ssyncset.done $0x0  }
0xad: {  	s24 =	simm.s32 @!p1 $0x8;
	[sflag:s3] =	ssyncadd.s32 $0xFFFFFF80  }
0xae: {  	_ =	swait.ge @!p1 [sflag:s24], $0x4000  }
0xaf: {  	[sflag:s24] =	ssyncset.done @!p1 $0x0  }
0xb0: {  	[sflag:s24] =	ssyncadd.s32 @!p1 $0xFFFFC000  }
0xb1: {  	v1 =	vld [tilespmem:$0x4200]  }
0xb2: {  	v2 =	vld [tilespmem:$0x4280]  }
0xb3: {  	v3 =	vld [tilespmem:$0x4210]  }
0xb4: {  	v48 =	vld [tilespmem:$0x4290];
	_ =	sdelay $0x1  }
0xb5: {  	v50 =	vld [tilespmem:$0x42A0]  }
0xb6: {  	v52 =	vld [tilespmem:$0x42C0]  }
0xb7: {  	v54 =	vld [tilespmem:$0x42D0];
	[tilespmem:$0x4300] =	vst v2  }
0xb8: {  	v1 =	vadd.s32 v0, v1;
	v2 =	vadd.s32 v0, v3;
	v3 =	vld [tilespmem:$0x42B0];
	[tilespmem:$0x4310] =	vst v48  }
0xb9: {  	[tilespmem:$0x4380] =	vst v1;
	v1 =	vld [tilespmem:$0x4230]  }
0xba: {  	[tilespmem:$0x4390] =	vst v2;
	v2 =	vld [tilespmem:$0x4240]  }
0xbb: {  	v49 =	vld [tilespmem:$0x4220];
	[tilespmem:$0x4320] =	vst v50  }
0xbc: {  	v55 =	vld [tilespmem:$0x42F0];
	[tilespmem:$0x4340] =	vst v52  }
0xbd: {  	v53 =	vld [tilespmem:$0x4250];
	[tilespmem:$0x4350] =	vst v54  }
0xbe: {  	[tilespmem:$0x4330] =	vst v3;
	v3 =	vld [tilespmem:$0x42E0];
	v1 =	vadd.s32 v0, v1  }
0xbf: {  	v2 =	vadd.s32 v0, v2;
	[tilespmem:$0x43B0] =	vst v1;
	v1 =	vld [tilespmem:$0x4260]  }
0xc0: {  	[tilespmem:$0x43C0] =	vst v2;
	v2 =	vld [tilespmem:$0x4270]  }
0xc1: {  	v51 =	vadd.s32 v0, v49;
	[tilespmem:$0x4370] =	vst v55  }
0xc2: {  	v4 =	vadd.s32 v0, v53;
	[tilespmem:$0x43A0] =	vst v51  }
0xc3: {  	[tilespmem:$0x43D0] =	vst v4  }
0xc4: {  	[tilespmem:$0x4360] =	vst v3;
	v1 =	vadd.s32 v0, v1  }
0xc5: {  	[tilespmem:$0x43E0] =	vst v1;
	v1 =	vadd.s32 v0, v2  }
0xc6: {  	[tilespmem:$0x43F0] =	vst v1  }
0xc7: {  	[tilespmem:s5], [sflag:$0x5] =	stream.indirect.gather [hbm4b:s21+s26], $0x80, s4, s26, $0xb8;
	[tilespmem:$0x1FF00] =	vst v63  }
0xc8: {  	_ =	swait.ge [sflag:s6], $0x80  }
0xc9: {  	[sflag:s6] =	ssyncset.done $0x0  }
0xca: {  	[sflag:s6] =	ssyncadd.s32 $0xFFFFFF80  }
0xcb: {  	_ =	swait.ge [sflag:s6], $0x80  }
0xcc: {  	[sflag:s6] =	ssyncset.done $0x0  }
0xcd: {  	s24 =	simm.s32 @!p1 $0x9;
	[sflag:s6] =	ssyncadd.s32 $0xFFFFFF80  }
0xce: {  	_ =	swait.ge @!p1 [sflag:s24], $0x4000  }
0xcf: {  	[sflag:s24] =	ssyncset.done @!p1 $0x0  }
0xd0: {  	[sflag:s24] =	ssyncadd.s32 @!p1 $0xFFFFC000  }
0xd1: {  	v1 =	vld [tilespmem:$0x8400]  }
0xd2: {  	v2 =	vld [tilespmem:$0x8480]  }
0xd3: {  	v3 =	vld [tilespmem:$0x8410]  }
0xd4: {  	v56 =	vld [tilespmem:$0x8490];
	_ =	sdelay $0x1  }
0xd5: {  	v58 =	vld [tilespmem:$0x84A0]  }
0xd6: {  	v60 =	vld [tilespmem:$0x84C0]  }
0xd7: {  	v62 =	vld [tilespmem:$0x84D0];
	[tilespmem:$0x8500] =	vst v2  }
0xd8: {  	v1 =	vadd.s32 v0, v1;
	v2 =	vadd.s32 v0, v3;
	v3 =	vld [tilespmem:$0x84B0];
	[tilespmem:$0x8510] =	vst v56  }
0xd9: {  	[tilespmem:$0x8580] =	vst v1;
	v1 =	vld [tilespmem:$0x8430]  }
0xda: {  	[tilespmem:$0x8590] =	vst v2;
	v2 =	vld [tilespmem:$0x8440]  }
0xdb: {  	v57 =	vld [tilespmem:$0x8420];
	[tilespmem:$0x8520] =	vst v58  }
0xdc: {  	v63 =	vld [tilespmem:$0x84F0];
	[tilespmem:$0x8540] =	vst v60  }
0xdd: {  	v61 =	vld [tilespmem:$0x8450];
	[tilespmem:$0x8550] =	vst v62  }
0xde: {  	[tilespmem:$0x8530] =	vst v3;
	v3 =	vld [tilespmem:$0x84E0];
	v1 =	vadd.s32 v0, v1  }
0xdf: {  	v2 =	vadd.s32 v0, v2;
	[tilespmem:$0x85B0] =	vst v1;
	v1 =	vld [tilespmem:$0x8460]  }
0xe0: {  	[tilespmem:$0x85C0] =	vst v2;
	v2 =	vld [tilespmem:$0x8470]  }
0xe1: {  	v59 =	vadd.s32 v0, v57;
	[tilespmem:$0x8570] =	vst v63  }
0xe2: {  	v4 =	vadd.s32 v0, v61;
	[tilespmem:$0x85A0] =	vst v59  }
0xe3: {  	[tilespmem:$0x85D0] =	vst v4  }
0xe4: {  	[tilespmem:$0x8560] =	vst v3;
	v1 =	vadd.s32 v0, v1  }
0xe5: {  	[tilespmem:$0x85E0] =	vst v1;
	v1 =	vadd.s32 v0, v2  }
0xe6: {  	[tilespmem:$0x85F0] =	vst v1  }
0xe7: {  	[tilespmem:s8], [sflag:$0x6] =	stream.indirect.gather [hbm4b:s21+s26], $0x80, s7, s26, $0xb8;
	[tilespmem:$0x1FF00] =	vst v63  }
0xe8: {  	p1 =	seq.s32 s23, $0x4E0;
	_ =	swait.ge [sflag:s9], $0x4000  }
0xe9: {  	s24 =	simm.s32 @p1 $0x80;
	[sflag:s9] =	ssyncset.done $0x0  }
0xea: {  	s25 =	simm.s32 @p1 $0x100;
	s15 =	simm.s32 @p1 $0x200;
	[sflag:s9] =	ssyncadd.s32 $0xFFFFC000  }
0xeb: {  	[spmem:s2] =	stream.indirect.scatter.add.f32 @p1 [tilespmem:s15], [sflag:$0x7], $0x80, s25, s24, $0xb8;
	[tilespmem:$0x1FF00] =	vst v63  }
0xec: {  	s15 =	simm.s32 @p1 $0x5  }
0xed: {  	_ =	swait.ge @p1 [sflag:s15], $0x4000  }
0xee: {  	s24 =	sadd.s32 @!p1 s23, s20;
	[sflag:s15] =	ssyncset.done @p1 $0x0  }
0xef: {  	s25 =	simm.s32 @!p1 $0x0;
	[sflag:s15] =	ssyncadd.s32 @p1 $0xFFFFC000;
	s15 =	sadd.s32 @!p1 $0x30, s24  }
0xf0: {  	[tilespmem:s25], [sflag:$0x1] =	stream.linear.gather @!p1 [hbm4b:s15+s25], $0x80, $0x38;
	[tilespmem:$0x1FF00] =	vst v63  }
0xf1: {  	s15 =	sadd.s32 @!p1 s23, s18  }
0xf2: {  	s17 =	simm.s32 @!p1 $0x80;
	s28 =	sadd.s32 @!p1 $0x30, s15  }
0xf3: {  	[tilespmem:s17], [sflag:$0x1] =	stream.linear.gather @!p1 [hbm4b:s28+s25], $0x80, $0x38;
	[tilespmem:$0x1FF00] =	vst v63  }
0xf4: {  	s13 =	simm.s32 @!p1 $0x200;
	s28 =	simm.s32 @!p1 $0x100  }
0xf5: {  	[spmem:s2] =	stream.indirect.scatter.add.f32 @!p1 [tilespmem:s13], [sflag:$0x7], $0x80, s28, s17, $0xb8;
	[tilespmem:$0x1FF00] =	vst v63  }
0xf6: {  	s13 =	simm.s32 @!p1 $0x5  }
0xf7: {  	_ =	swait.ge @!p1 [sflag:s13], $0x4000  }
0xf8: {  	[sflag:s13] =	ssyncset.done @!p1 $0x0  }
0xf9: {  	s17 =	simm.s32 @!p1 $0x4200;
	[sflag:s13] =	ssyncadd.s32 @!p1 $0xFFFFC000;
	s13 =	sadd.s32 @!p1 $0x40, s24  }
0xfa: {  	[tilespmem:s17], [sflag:$0x2] =	stream.linear.gather @!p1 [hbm4b:s13+s25], $0x80, $0x38;
	[tilespmem:$0x1FF00] =	vst v63  }
0xfb: {  	s13 =	sadd.s32 @!p1 $0x40, s15;
	s15 =	simm.s32 @!p1 $0x4280  }
0xfc: {  	[tilespmem:s15], [sflag:$0x2] =	stream.linear.gather @!p1 [hbm4b:s13+s25], $0x80, $0x38;
	[tilespmem:$0x1FF00] =	vst v63  }
0xfd: {  	p1 =	sne.s32 s23, $0x4E0  }
.Ltmp2:
0xfe: {  	_ = 	snop;
	(pc) =	sbr.rel @!p1 .LBB2_3-.Ltmp2, $4  }
0xff: {  	[spmem:s2] =	stream.indirect.scatter.add.f32 [tilespmem:s5], [sflag:$0x8], $0x80, s10, s26, $0xb8;
	[tilespmem:$0x1FF00] =	vst v63  }
0x100: {  	_ =	swait.ge [sflag:s11], $0x4000  }
0x101: {  	[sflag:s11] =	ssyncset.done $0x0  }
0x102: {  	[sflag:s11] =	ssyncadd.s32 $0xFFFFC000  }
0x103: {  	s13 =	sadd.s32 s23, s20;
	s28 =	sadd.s32 s23, s18;
	s23 =	sadd.s32 $0x30, s23  }
0x104: {  	s13 =	sadd.s32 $0x50, s13;
	p1 =	sne.s32 s23, $0x510  }
0x105: {  	[tilespmem:s30], [sflag:$0x3] =	stream.linear.gather [hbm4b:s13+s19], $0x80, $0x38;
	[tilespmem:$0x1FF00] =	vst v63  }
.Ltmp3:
0x106: {  	_ = 	snop;
	(pc) =	sbr.rel @p1 .LBB2_2-.Ltmp3, $4  }
.Ltmp4:
0x107: {  	s13 =	sadd.s32 $0x50, s28;
	(pc) =	sbr.rel @!p1 .LBB2_5-.Ltmp4, $4  }
0x108: {  	[tilespmem:s31], [sflag:$0x3] =	stream.linear.gather [hbm4b:s13+s19], $0x80, $0x38;
	[tilespmem:$0x1FF00] =	vst v63  }
0x109: {  	_ = 	snop  }
0x10a: {  	[spmem:s2] =	stream.indirect.scatter.add.f32 [tilespmem:s8], [sflag:$0x9], $0x80, s12, s26, $0xb8;
	[tilespmem:$0x1FF00] =	vst v63  }
0x10b: {  	_ = 	snop  }
.LBB2_6:
0x10c: {  	_ =	sfence.sel $0x180000  }
0x10d: {  	[bflag:$0x0] =	sbarrier.arrive $0xFFFF  }
0x10e: {  	_ =	strace $0x90000047  }
0x10f: {  	s0 =	stileid.u32;
	[bflag:$0x2] =	sbarrier.arrive $0xFFFF  }
0x110: {  	p0 =	sne.s32 s0, $0x0;
	s0 =	rddreg [dreg:$0x4]  }
0x111: {  	s0 =	sadd.s32 @!p0 $0x100000, s0  }
0x112: {  	[sflag:s0] =	ssyncadd.tile.s32 @!p0 $0x1;
	_ =	shalt  }
.Lfunc_end2:
_tile_overlayer_lowered:
.L_overlay_start_2:
0x113: {  	(tag) =	ssettag $0x2  }
0x114: {  	s0 =	rddreg [dreg:$0x0];
	s2 =	stileid.u32  }
0x115: {  	s1 =	rddreg [dreg:$0x1];
	p0 =	sne.s32 s2, $0x0  }
0x116: {  	s3 =	rddreg [dreg:$0x2];
	[bflag:$0x3] =	sbarrier.arrive $0xFFFF;
	s2 =	simm.s32 @!p0 $0x1C0A  }
0x117: {  	[timem:s3], [sflag:s2] =	dma.local @!p0 [hbm:s0], s1  }
0x118: {  	s0 =	simm.s32 @!p0 $0xA  }
0x119: {  	_ =	swait.ge @!p0 [sflag:s0], s1  }
0x11a: {  	s1 =	ssub.s32 @!p0 $0x0, s1;
	[sflag:s0] =	ssyncset.done @!p0 $0x0  }
0x11b: {  	[sflag:s0] =	ssyncadd.s32 @!p0 s1  }
0x11c: {  	[bflag:$0x3] =	sbarrier.arrive $0xFFFF  }
0x11d: {  	_ =	shalt  }

</sc_bundles>
